<compile_context>
chip_gen: v7x
topology: tpu7x:2x2x1
jax: 0.10.2.dev20260603
libtpu: 0.0.44.dev20260713+nightly
codegen_flags: <defaults>
</compile_context>

<pallas_src>
import functools
import math

import jax
import jax.numpy as jnp
from jax import lax
from jax.experimental import pallas as pl
from jax.experimental.pallas import tpu as pltpu
from jax.experimental.pallas import tpu_sc as plsc

LANES = 16
CHUNK = 128
M = 6
LAG = 3


def kernel(token_ids, token_embed):
    B, L = token_ids.shape
    V, D = token_embed.shape
    scale = math.sqrt(D)
    N = B * L

    info = plsc.get_sparse_core_info()
    NC, NS = info.num_cores, info.num_subcores
    NW = NC * NS
    assert N % (NW * CHUNK) == 0
    per_w = N // NW
    T = per_w // CHUNK
    R = -(-(T + LAG) // M)

    idx = token_ids.reshape(NW, T, CHUNK).astype(jnp.int32)
    mesh = plsc.VectorSubcoreMesh(core_axis_name="c", subcore_axis_name="s")

    @functools.partial(
        pl.kernel,
        mesh=mesh,
        out_type=jax.ShapeDtypeStruct((N, D), jnp.float32),
        scratch_types=[
            pltpu.VMEM((T, CHUNK), jnp.int32),
            pltpu.VMEM((M, CHUNK, D), jnp.float32),
        ] + [pltpu.SemaphoreType.DMA] * (2 * M),
    )
    def sc_gather(idx_hbm, tab_hbm, out_hbm, idx_v, buf, *sems):
        gsem = sems[:M]
        ssem = sems[M:]
        wid = lax.axis_index("s") * NC + lax.axis_index("c")
        row0 = wid * per_w
        pltpu.sync_copy(idx_hbm.at[wid], idx_v)

        def g_start(b, ch):
            pltpu.async_copy(tab_hbm.at[idx_v.at[ch]], buf.at[b], gsem[b])

        def g_wait(b):
            pltpu.make_async_copy(
                tab_hbm.at[pl.ds(0, CHUNK)], buf.at[b], gsem[b]).wait()

        def s_start(b, ch):
            pltpu.async_copy(
                buf.at[b], out_hbm.at[pl.ds(row0 + ch * CHUNK, CHUNK)], ssem[b])

        def s_wait(b):
            pltpu.make_async_copy(
                buf.at[b], out_hbm.at[pl.ds(0, CHUNK)], ssem[b]).wait()

        def round_body(r, carry):
            for b in range(M):
                f = r * M + b

                @pl.when(f < T)
                def _():
                    @pl.when(f >= M)
                    def _():
                        s_wait(b)

                    g_start(b, f)

                ch = f - LAG
                bb = (b - LAG) % M

                @pl.when(jnp.logical_and(ch >= 0, ch < T))
                def _():
                    g_wait(bb)

                    def row_body(rr, c):
                        for g in range(D // LANES):
                            sl = pl.ds(g * LANES, LANES)
                            buf[bb, rr, sl] = buf[bb, rr, sl] * scale
                        return c

                    lax.fori_loop(0, CHUNK, row_body, 0)
                    s_start(bb, ch)
            return carry

        lax.fori_loop(0, R, round_body, 0)
        for b in range(M):
            s_wait(b)

    out = sc_gather(idx, token_embed)
    return out.reshape(B, L, D)

# --- scband reference (transcript-rebuilt; emitter-appended) ---
"""Pipeline reference for scband-event-embedder-35802847379555 (READ-ONLY COPY).

The authoritative reference and input builder live on the scoring server;
editing this copy changes nothing except your own understanding.
"""

import jax, jax.numpy as jnp
import numpy as np
import math

VOCAB = 100000
D_MODEL = 128
B = 4096
L = 200


def setup_inputs(seed: int = 0) -> dict:
    key = jax.random.key(seed)
    k_idx, k_tab = jax.random.split(key)
    token_ids = jax.random.randint(k_idx, (B, L), 0, VOCAB, dtype=jnp.int64 if jax.config.jax_enable_x64 else jnp.int32)
    token_embed = jax.random.normal(k_tab, (VOCAB, D_MODEL), dtype=jnp.float32) * 0.02
    return {"token_ids": token_ids, "token_embed": token_embed}


def reference(token_ids, token_embed):
    # EventEmbedder.forward: embedding lookup scaled by sqrt(d_model)
    emb = jnp.take(token_embed, token_ids, axis=0)
    return emb * math.sqrt(D_MODEL)

if __name__ == "__main__":
    import jax
    _d = setup_inputs()
    print(jax.jit(kernel)(*tuple(_d.values())))

</pallas_src>

<mosaic_0001>
#map = affine_map<(d0, d1) -> (0, 0, 0)>
#map1 = affine_map<(d0, d1) -> (0, 0)>
module attributes {stable_mosaic.version = 14 : i64} {
  func.func @sc_gather(%arg0: i32, %arg1: i32, %arg2: memref<32x200x128xi32, #tpu.memory_space<hbm>>, %arg3: memref<100000x128xf32, #tpu.memory_space<hbm>>, %arg4: memref<819200x128xf32, #tpu.memory_space<hbm>>, %arg5: memref<200x128xi32, #tpu.memory_space<vmem>>, %arg6: memref<6x128x128xf32, #tpu.memory_space<vmem>>, %arg7: memref<!tpu.dma_semaphore, #tpu.memory_space<semaphore_mem>>, %arg8: memref<!tpu.dma_semaphore, #tpu.memory_space<semaphore_mem>>, %arg9: memref<!tpu.dma_semaphore, #tpu.memory_space<semaphore_mem>>, %arg10: memref<!tpu.dma_semaphore, #tpu.memory_space<semaphore_mem>>, %arg11: memref<!tpu.dma_semaphore, #tpu.memory_space<semaphore_mem>>, %arg12: memref<!tpu.dma_semaphore, #tpu.memory_space<semaphore_mem>>, %arg13: memref<!tpu.dma_semaphore, #tpu.memory_space<semaphore_mem>>, %arg14: memref<!tpu.dma_semaphore, #tpu.memory_space<semaphore_mem>>, %arg15: memref<!tpu.dma_semaphore, #tpu.memory_space<semaphore_mem>>, %arg16: memref<!tpu.dma_semaphore, #tpu.memory_space<semaphore_mem>>, %arg17: memref<!tpu.dma_semaphore, #tpu.memory_space<semaphore_mem>>, %arg18: memref<!tpu.dma_semaphore, #tpu.memory_space<semaphore_mem>>) attributes {dimension_semantics = [#tpu.dimension_semantics<core_parallel>, #tpu.dimension_semantics<subcore_parallel>], iteration_bounds = array<i64: 2, 16>, scalar_prefetch = 0 : i64, scratch_operands = 14 : i64, tpu.core_type = #tpu.core_type<sc_vector_subcore>, window_params = [{transform_indices = #map}, {transform_indices = #map1}, {transform_indices = #map1}]} {
    %mul3A = arith.constant 2 : i32
    %mul3A_0 = arith.muli %arg1, %mul3A : i32
    %add3A = arith.addi %mul3A_0, %arg0 : i32
    %mul3A_1 = arith.constant 25600 : i32
    %mul3A_2 = arith.muli %add3A, %mul3A_1 : i32
    "tpu.region"() ({
      %run_scoped3A = tpu.sem_alloc : memref<!tpu.dma_semaphore, #tpu.memory_space<semaphore_mem>>
      %dma_start3A = arith.constant 0 : i32
      %dma_start3A_97 = arith.constant 0 : i32
      %dma_start3A_98 = tpu.memref_slice %arg2[%add3A, %dma_start3A, %dma_start3A_97] : memref<32x200x128xi32, #tpu.memory_space<hbm>> -> memref<1x200x128xi32, #tpu.memory_space<hbm>>
      %dma_start3A_99 = tpu.memref_squeeze %dma_start3A_98 : memref<1x200x128xi32, #tpu.memory_space<hbm>> -> memref<200x128xi32, #tpu.memory_space<hbm>>
      %dma_start3A_100 = arith.constant 0 : i32
      %dma_start3A_101 = arith.constant 0 : i32
      %dma_start3A_102 = tpu.memref_slice %arg2[%add3A, %dma_start3A_100, %dma_start3A_101] : memref<32x200x128xi32, #tpu.memory_space<hbm>> -> memref<1x200x128xi32, #tpu.memory_space<hbm>>
      %dma_start3A_103 = tpu.memref_squeeze %dma_start3A_102 : memref<1x200x128xi32, #tpu.memory_space<hbm>> -> memref<200x128xi32, #tpu.memory_space<hbm>>
      tpu.enqueue_dma source(%dma_start3A_103 : memref<200x128xi32, #tpu.memory_space<hbm>>) target(%arg5 : memref<200x128xi32, #tpu.memory_space<vmem>>) target_semaphore(%run_scoped3A : memref<!tpu.dma_semaphore, #tpu.memory_space<semaphore_mem>>)
      %dma_wait3A_104 = arith.constant 0 : i32
      %dma_wait3A_105 = arith.constant 0 : i32
      %dma_wait3A_106 = tpu.memref_slice %arg2[%add3A, %dma_wait3A_104, %dma_wait3A_105] : memref<32x200x128xi32, #tpu.memory_space<hbm>> -> memref<1x200x128xi32, #tpu.memory_space<hbm>>
      %dma_wait3A_107 = tpu.memref_squeeze %dma_wait3A_106 : memref<1x200x128xi32, #tpu.memory_space<hbm>> -> memref<200x128xi32, #tpu.memory_space<hbm>>
      %dma_wait3A_108 = arith.constant 0 : i32
      %dma_wait3A_109 = arith.constant 0 : i32
      %dma_wait3A_110 = tpu.memref_slice %arg2[%add3A, %dma_wait3A_108, %dma_wait3A_109] : memref<32x200x128xi32, #tpu.memory_space<hbm>> -> memref<1x200x128xi32, #tpu.memory_space<hbm>>
      %dma_wait3A_111 = tpu.memref_squeeze %dma_wait3A_110 : memref<1x200x128xi32, #tpu.memory_space<hbm>> -> memref<200x128xi32, #tpu.memory_space<hbm>>
      tpu.wait_dma2 semaphore(%run_scoped3A : memref<!tpu.dma_semaphore, #tpu.memory_space<semaphore_mem>>) src(%dma_wait3A_111 : memref<200x128xi32, #tpu.memory_space<hbm>>) dst(%arg5 : memref<200x128xi32, #tpu.memory_space<vmem>>)
      tpu.yield
    }) : () -> ()
    %scan3A = arith.constant 0 : i32
    %scan3A_3 = arith.constant 0 : i32
    %scan3A_4 = arith.constant 34 : i32
    %scan3A_5 = arith.addi %scan3A_3, %scan3A_4 : i32
    %scan3A_6 = arith.constant 1 : i32
    scf.for %scan3A_97 = %scan3A_3 to %scan3A_5 step %scan3A_6  : i32 {
      %mul3A_98 = arith.constant 6 : i32
      %mul3A_99 = arith.muli %scan3A_97, %mul3A_98 : i32
      %add3A_100 = arith.constant 0 : i32
      %add3A_101 = arith.addi %mul3A_99, %add3A_100 : i32
      %lt3A = arith.constant 200 : i32
      %lt3A_102 = arith.cmpi slt, %add3A_101, %lt3A : i32
      %convert_element_type3A = arith.extui %lt3A_102 : i1 to i32
      %cond3A = arith.constant 0 : i32
      %cond3A_103 = arith.cmpi ne, %convert_element_type3A, %cond3A : i32
      scf.if %cond3A_103 {
        %ge3A_206 = arith.constant 6 : i32
        %ge3A_207 = arith.cmpi sge, %add3A_101, %ge3A_206 : i32
        %convert_element_type3A_208 = arith.extui %ge3A_207 : i1 to i32
        %cond3A_209 = arith.constant 0 : i32
        %cond3A_210 = arith.cmpi ne, %convert_element_type3A_208, %cond3A_209 : i32
        scf.if %cond3A_210 {
          %dma_wait3A_221 = arith.constant 0 : i32
          %dma_wait3A_222 = arith.constant 0 : i32
          %dma_wait3A_223 = arith.constant 0 : i32
          %dma_wait3A_224 = tpu.memref_slice %arg6[%dma_wait3A_221, %dma_wait3A_222, %dma_wait3A_223] : memref<6x128x128xf32, #tpu.memory_space<vmem>> -> memref<1x128x128xf32, #tpu.memory_space<vmem>>
          %dma_wait3A_225 = tpu.memref_squeeze %dma_wait3A_224 : memref<1x128x128xf32, #tpu.memory_space<vmem>> -> memref<128x128xf32, #tpu.memory_space<vmem>>
          %dma_wait3A_226 = arith.constant 0 : i32
          %dma_wait3A_227 = arith.constant 0 : i32
          %dma_wait3A_228 = tpu.memref_slice %arg4[%dma_wait3A_226, %dma_wait3A_227] : memref<819200x128xf32, #tpu.memory_space<hbm>> -> memref<128x128xf32, #tpu.memory_space<hbm>>
          %dma_wait3A_229 = arith.constant 0 : i32
          %dma_wait3A_230 = arith.constant 0 : i32
          %dma_wait3A_231 = tpu.memref_slice %arg4[%dma_wait3A_229, %dma_wait3A_230] : memref<819200x128xf32, #tpu.memory_space<hbm>> -> memref<128x128xf32, #tpu.memory_space<hbm>>
          %dma_wait3A_232 = arith.constant 0 : i32
          %dma_wait3A_233 = arith.constant 0 : i32
          %dma_wait3A_234 = tpu.memref_slice %arg6[%dma_wait3A_221, %dma_wait3A_232, %dma_wait3A_233] : memref<6x128x128xf32, #tpu.memory_space<vmem>> -> memref<1x128x128xf32, #tpu.memory_space<vmem>>
          %dma_wait3A_235 = tpu.memref_squeeze %dma_wait3A_234 : memref<1x128x128xf32, #tpu.memory_space<vmem>> -> memref<128x128xf32, #tpu.memory_space<vmem>>
          tpu.wait_dma2 semaphore(%arg13 : memref<!tpu.dma_semaphore, #tpu.memory_space<semaphore_mem>>) src(%dma_wait3A_235 : memref<128x128xf32, #tpu.memory_space<vmem>>) dst(%dma_wait3A_231 : memref<128x128xf32, #tpu.memory_space<hbm>>)
        } else {
        }
        %dma_start3A = arith.constant 0 : i32
        %dma_start3A_211 = arith.constant 0 : i32
        %dma_start3A_212 = arith.constant 0 : i32
        %dma_start3A_213 = tpu.memref_slice %arg6[%dma_start3A, %dma_start3A_211, %dma_start3A_212] : memref<6x128x128xf32, #tpu.memory_space<vmem>> -> memref<1x128x128xf32, #tpu.memory_space<vmem>>
        %dma_start3A_214 = tpu.memref_squeeze %dma_start3A_213 : memref<1x128x128xf32, #tpu.memory_space<vmem>> -> memref<128x128xf32, #tpu.memory_space<vmem>>
        %dma_start3A_215 = arith.constant 0 : i32
        %dma_start3A_216 = tpu.memref_slice %arg5[%add3A_101, %dma_start3A_215] : memref<200x128xi32, #tpu.memory_space<vmem>> -> memref<1x128xi32, #tpu.memory_space<vmem>>
        %dma_start3A_217 = tpu.memref_squeeze %dma_start3A_216 : memref<1x128xi32, #tpu.memory_space<vmem>> -> memref<128xi32, #tpu.memory_space<vmem>>
        %dma_start3A_218 = arith.constant 0 : i32
        %dma_start3A_219 = arith.constant 0 : i32
        %dma_start3A_220 = tpu.memref_slice %arg3[%dma_start3A_218, %dma_start3A_219] : memref<100000x128xf32, #tpu.memory_space<hbm>> -> memref<100000x128xf32, #tpu.memory_space<hbm>>
        tpu.enqueue_indirect_dma source(%dma_start3A_220 : memref<100000x128xf32, #tpu.memory_space<hbm>>) target(%dma_start3A_214 : memref<128x128xf32, #tpu.memory_space<vmem>>) offsets(%dma_start3A_217 : memref<128xi32, #tpu.memory_space<vmem>>) semaphore(%arg7 : memref<!tpu.dma_semaphore, #tpu.memory_space<semaphore_mem>>)
      } else {
      }
      %sub3A = arith.constant 3 : i32
      %sub3A_104 = arith.subi %add3A_101, %sub3A : i32
      %ge3A = arith.constant 0 : i32
      %ge3A_105 = arith.cmpi sge, %sub3A_104, %ge3A : i32
      %lt3A_106 = arith.constant 200 : i32
      %lt3A_107 = arith.cmpi slt, %sub3A_104, %lt3A_106 : i32
      %and3A = arith.andi %ge3A_105, %lt3A_107 : i1
      %convert_element_type3A_108 = arith.extui %and3A : i1 to i32
      %cond3A_109 = arith.constant 0 : i32
      %cond3A_110 = arith.cmpi ne, %convert_element_type3A_108, %cond3A_109 : i32
      scf.if %cond3A_110 {
        %dma_wait3A_206 = arith.constant 3 : i32
        %dma_wait3A_207 = arith.constant 0 : i32
        %dma_wait3A_208 = arith.constant 0 : i32
        %dma_wait3A_209 = tpu.memref_slice %arg6[%dma_wait3A_206, %dma_wait3A_207, %dma_wait3A_208] : memref<6x128x128xf32, #tpu.memory_space<vmem>> -> memref<1x128x128xf32, #tpu.memory_space<vmem>>
        %dma_wait3A_210 = tpu.memref_squeeze %dma_wait3A_209 : memref<1x128x128xf32, #tpu.memory_space<vmem>> -> memref<128x128xf32, #tpu.memory_space<vmem>>
        %dma_wait3A_211 = arith.constant 0 : i32
        %dma_wait3A_212 = arith.constant 0 : i32
        %dma_wait3A_213 = tpu.memref_slice %arg3[%dma_wait3A_211, %dma_wait3A_212] : memref<100000x128xf32, #tpu.memory_space<hbm>> -> memref<128x128xf32, #tpu.memory_space<hbm>>
        %dma_wait3A_214 = arith.constant 0 : i32
        %dma_wait3A_215 = arith.constant 0 : i32
        %dma_wait3A_216 = tpu.memref_slice %arg6[%dma_wait3A_206, %dma_wait3A_214, %dma_wait3A_215] : memref<6x128x128xf32, #tpu.memory_space<vmem>> -> memref<1x128x128xf32, #tpu.memory_space<vmem>>
        %dma_wait3A_217 = tpu.memref_squeeze %dma_wait3A_216 : memref<1x128x128xf32, #tpu.memory_space<vmem>> -> memref<128x128xf32, #tpu.memory_space<vmem>>
        %dma_wait3A_218 = arith.constant 0 : i32
        %dma_wait3A_219 = arith.constant 0 : i32
        %dma_wait3A_220 = tpu.memref_slice %arg3[%dma_wait3A_218, %dma_wait3A_219] : memref<100000x128xf32, #tpu.memory_space<hbm>> -> memref<128x128xf32, #tpu.memory_space<hbm>>
        tpu.wait_dma2 semaphore(%arg10 : memref<!tpu.dma_semaphore, #tpu.memory_space<semaphore_mem>>) src(%dma_wait3A_220 : memref<128x128xf32, #tpu.memory_space<hbm>>) dst(%dma_wait3A_217 : memref<128x128xf32, #tpu.memory_space<vmem>>)
        %scan3A_221 = arith.constant 0 : i32
        %scan3A_222 = arith.constant 0 : i32
        %scan3A_223 = arith.constant 128 : i32
        %scan3A_224 = arith.addi %scan3A_222, %scan3A_223 : i32
        %scan3A_225 = arith.constant 1 : i32
        scf.for %scan3A_242 = %scan3A_222 to %scan3A_224 step %scan3A_225  : i32 {
          %get3A = arith.constant 3 : i32
          %get3A_243 = arith.index_cast %get3A : i32 to index
          %get3A_244 = arith.index_cast %scan3A_242 : i32 to index
          %get3A_245 = arith.constant 0 : index
          %get3A_246 = tpu.vector_load %arg6[%get3A_243, %get3A_244, %get3A_245] {strides = array<i32>} : memref<6x128x128xf32, #tpu.memory_space<vmem>>, vector<1x1x16xf32>,
          %get3A_247 = vector.shape_cast %get3A_246 : vector<1x1x16xf32> to vector<16xf32>
          %mul3A_248 = arith.constant 11.3137083 : f32
          %mul3A_249 = vector.broadcast %mul3A_248 : f32 to vector<16xf32>
          %mul3A_250 = arith.mulf %get3A_247, %mul3A_249 : vector<16xf32>
          %swap3A = arith.constant 3 : i32
          %swap3A_251 = arith.index_cast %swap3A : i32 to index
          %swap3A_252 = arith.index_cast %scan3A_242 : i32 to index
          %swap3A_253 = arith.constant 0 : index
          %swap3A_254 = tpu.vector_load %arg6[%swap3A_251, %swap3A_252, %swap3A_253] {strides = array<i32>} : memref<6x128x128xf32, #tpu.memory_space<vmem>>, vector<1x1x16xf32>,
          %swap3A_255 = vector.shape_cast %swap3A_254 : vector<1x1x16xf32> to vector<16xf32>
          %swap3A_256 = vector.shape_cast %mul3A_250 : vector<16xf32> to vector<1x1x16xf32>
          tpu.vector_store %arg6[%swap3A_251, %swap3A_252, %swap3A_253], %swap3A_256 {strides = array<i32>} : memref<6x128x128xf32, #tpu.memory_space<vmem>>, vector<1x1x16xf32>,
          %get3A_257 = arith.constant 3 : i32
          %get3A_258 = arith.index_cast %get3A_257 : i32 to index
          %get3A_259 = arith.index_cast %scan3A_242 : i32 to index
          %get3A_260 = arith.constant 16 : index
          %get3A_261 = tpu.vector_load %arg6[%get3A_258, %get3A_259, %get3A_260] {strides = array<i32>} : memref<6x128x128xf32, #tpu.memory_space<vmem>>, vector<1x1x16xf32>,
          %get3A_262 = vector.shape_cast %get3A_261 : vector<1x1x16xf32> to vector<16xf32>
          %mul3A_263 = arith.constant 11.3137083 : f32
          %mul3A_264 = vector.broadcast %mul3A_263 : f32 to vector<16xf32>
          %mul3A_265 = arith.mulf %get3A_262, %mul3A_264 : vector<16xf32>
          %swap3A_266 = arith.constant 3 : i32
          %swap3A_267 = arith.index_cast %swap3A_266 : i32 to index
          %swap3A_268 = arith.index_cast %scan3A_242 : i32 to index
          %swap3A_269 = arith.constant 16 : index
          %swap3A_270 = tpu.vector_load %arg6[%swap3A_267, %swap3A_268, %swap3A_269] {strides = array<i32>} : memref<6x128x128xf32, #tpu.memory_space<vmem>>, vector<1x1x16xf32>,
          %swap3A_271 = vector.shape_cast %swap3A_270 : vector<1x1x16xf32> to vector<16xf32>
          %swap3A_272 = vector.shape_cast %mul3A_265 : vector<16xf32> to vector<1x1x16xf32>
          tpu.vector_store %arg6[%swap3A_267, %swap3A_268, %swap3A_269], %swap3A_272 {strides = array<i32>} : memref<6x128x128xf32, #tpu.memory_space<vmem>>, vector<1x1x16xf32>,
          %get3A_273 = arith.constant 3 : i32
          %get3A_274 = arith.index_cast %get3A_273 : i32 to index
          %get3A_275 = arith.index_cast %scan3A_242 : i32 to index
          %get3A_276 = arith.constant 32 : index
          %get3A_277 = tpu.vector_load %arg6[%get3A_274, %get3A_275, %get3A_276] {strides = array<i32>} : memref<6x128x128xf32, #tpu.memory_space<vmem>>, vector<1x1x16xf32>,
          %get3A_278 = vector.shape_cast %get3A_277 : vector<1x1x16xf32> to vector<16xf32>
          %mul3A_279 = arith.constant 11.3137083 : f32
          %mul3A_280 = vector.broadcast %mul3A_279 : f32 to vector<16xf32>
          %mul3A_281 = arith.mulf %get3A_278, %mul3A_280 : vector<16xf32>
          %swap3A_282 = arith.constant 3 : i32
          %swap3A_283 = arith.index_cast %swap3A_282 : i32 to index
          %swap3A_284 = arith.index_cast %scan3A_242 : i32 to index
          %swap3A_285 = arith.constant 32 : index
          %swap3A_286 = tpu.vector_load %arg6[%swap3A_283, %swap3A_284, %swap3A_285] {strides = array<i32>} : memref<6x128x128xf32, #tpu.memory_space<vmem>>, vector<1x1x16xf32>,
          %swap3A_287 = vector.shape_cast %swap3A_286 : vector<1x1x16xf32> to vector<16xf32>
          %swap3A_288 = vector.shape_cast %mul3A_281 : vector<16xf32> to vector<1x1x16xf32>
          tpu.vector_store %arg6[%swap3A_283, %swap3A_284, %swap3A_285], %swap3A_288 {strides = array<i32>} : memref<6x128x128xf32, #tpu.memory_space<vmem>>, vector<1x1x16xf32>,
          %get3A_289 = arith.constant 3 : i32
          %get3A_290 = arith.index_cast %get3A_289 : i32 to index
          %get3A_291 = arith.index_cast %scan3A_242 : i32 to index
          %get3A_292 = arith.constant 48 : index
          %get3A_293 = tpu.vector_load %arg6[%get3A_290, %get3A_291, %get3A_292] {strides = array<i32>} : memref<6x128x128xf32, #tpu.memory_space<vmem>>, vector<1x1x16xf32>,
          %get3A_294 = vector.shape_cast %get3A_293 : vector<1x1x16xf32> to vector<16xf32>
          %mul3A_295 = arith.constant 11.3137083 : f32
          %mul3A_296 = vector.broadcast %mul3A_295 : f32 to vector<16xf32>
          %mul3A_297 = arith.mulf %get3A_294, %mul3A_296 : vector<16xf32>
          %swap3A_298 = arith.constant 3 : i32
          %swap3A_299 = arith.index_cast %swap3A_298 : i32 to index
          %swap3A_300 = arith.index_cast %scan3A_242 : i32 to index
          %swap3A_301 = arith.constant 48 : index
          %swap3A_302 = tpu.vector_load %arg6[%swap3A_299, %swap3A_300, %swap3A_301] {strides = array<i32>} : memref<6x128x128xf32, #tpu.memory_space<vmem>>, vector<1x1x16xf32>,
          %swap3A_303 = vector.shape_cast %swap3A_302 : vector<1x1x16xf32> to vector<16xf32>
          %swap3A_304 = vector.shape_cast %mul3A_297 : vector<16xf32> to vector<1x1x16xf32>
          tpu.vector_store %arg6[%swap3A_299, %swap3A_300, %swap3A_301], %swap3A_304 {strides = array<i32>} : memref<6x128x128xf32, #tpu.memory_space<vmem>>, vector<1x1x16xf32>,
          %get3A_305 = arith.constant 3 : i32
          %get3A_306 = arith.index_cast %get3A_305 : i32 to index
          %get3A_307 = arith.index_cast %scan3A_242 : i32 to index
          %get3A_308 = arith.constant 64 : index
          %get3A_309 = tpu.vector_load %arg6[%get3A_306, %get3A_307, %get3A_308] {strides = array<i32>} : memref<6x128x128xf32, #tpu.memory_space<vmem>>, vector<1x1x16xf32>,
          %get3A_310 = vector.shape_cast %get3A_309 : vector<1x1x16xf32> to vector<16xf32>
          %mul3A_311 = arith.constant 11.3137083 : f32
          %mul3A_312 = vector.broadcast %mul3A_311 : f32 to vector<16xf32>
          %mul3A_313 = arith.mulf %get3A_310, %mul3A_312 : vector<16xf32>
          %swap3A_314 = arith.constant 3 : i32
          %swap3A_315 = arith.index_cast %swap3A_314 : i32 to index
          %swap3A_316 = arith.index_cast %scan3A_242 : i32 to index
          %swap3A_317 = arith.constant 64 : index
          %swap3A_318 = tpu.vector_load %arg6[%swap3A_315, %swap3A_316, %swap3A_317] {strides = array<i32>} : memref<6x128x128xf32, #tpu.memory_space<vmem>>, vector<1x1x16xf32>,
          %swap3A_319 = vector.shape_cast %swap3A_318 : vector<1x1x16xf32> to vector<16xf32>
          %swap3A_320 = vector.shape_cast %mul3A_313 : vector<16xf32> to vector<1x1x16xf32>
          tpu.vector_store %arg6[%swap3A_315, %swap3A_316, %swap3A_317], %swap3A_320 {strides = array<i32>} : memref<6x128x128xf32, #tpu.memory_space<vmem>>, vector<1x1x16xf32>,
          %get3A_321 = arith.constant 3 : i32
          %get3A_322 = arith.index_cast %get3A_321 : i32 to index
          %get3A_323 = arith.index_cast %scan3A_242 : i32 to index
          %get3A_324 = arith.constant 80 : index
          %get3A_325 = tpu.vector_load %arg6[%get3A_322, %get3A_323, %get3A_324] {strides = array<i32>} : memref<6x128x128xf32, #tpu.memory_space<vmem>>, vector<1x1x16xf32>,
          %get3A_326 = vector.shape_cast %get3A_325 : vector<1x1x16xf32> to vector<16xf32>
          %mul3A_327 = arith.constant 11.3137083 : f32
          %mul3A_328 = vector.broadcast %mul3A_327 : f32 to vector<16xf32>
          %mul3A_329 = arith.mulf %get3A_326, %mul3A_328 : vector<16xf32>
          %swap3A_330 = arith.constant 3 : i32
          %swap3A_331 = arith.index_cast %swap3A_330 : i32 to index
          %swap3A_332 = arith.index_cast %scan3A_242 : i32 to index
          %swap3A_333 = arith.constant 80 : index
          %swap3A_334 = tpu.vector_load %arg6[%swap3A_331, %swap3A_332, %swap3A_333] {strides = array<i32>} : memref<6x128x128xf32, #tpu.memory_space<vmem>>, vector<1x1x16xf32>,
          %swap3A_335 = vector.shape_cast %swap3A_334 : vector<1x1x16xf32> to vector<16xf32>
          %swap3A_336 = vector.shape_cast %mul3A_329 : vector<16xf32> to vector<1x1x16xf32>
          tpu.vector_store %arg6[%swap3A_331, %swap3A_332, %swap3A_333], %swap3A_336 {strides = array<i32>} : memref<6x128x128xf32, #tpu.memory_space<vmem>>, vector<1x1x16xf32>,
          %get3A_337 = arith.constant 3 : i32
          %get3A_338 = arith.index_cast %get3A_337 : i32 to index
          %get3A_339 = arith.index_cast %scan3A_242 : i32 to index
          %get3A_340 = arith.constant 96 : index
          %get3A_341 = tpu.vector_load %arg6[%get3A_338, %get3A_339, %get3A_340] {strides = array<i32>} : memref<6x128x128xf32, #tpu.memory_space<vmem>>, vector<1x1x16xf32>,
          %get3A_342 = vector.shape_cast %get3A_341 : vector<1x1x16xf32> to vector<16xf32>
          %mul3A_343 = arith.constant 11.3137083 : f32
          %mul3A_344 = vector.broadcast %mul3A_343 : f32 to vector<16xf32>
          %mul3A_345 = arith.mulf %get3A_342, %mul3A_344 : vector<16xf32>
          %swap3A_346 = arith.constant 3 : i32
          %swap3A_347 = arith.index_cast %swap3A_346 : i32 to index
          %swap3A_348 = arith.index_cast %scan3A_242 : i32 to index
          %swap3A_349 = arith.constant 96 : index
          %swap3A_350 = tpu.vector_load %arg6[%swap3A_347, %swap3A_348, %swap3A_349] {strides = array<i32>} : memref<6x128x128xf32, #tpu.memory_space<vmem>>, vector<1x1x16xf32>,
          %swap3A_351 = vector.shape_cast %swap3A_350 : vector<1x1x16xf32> to vector<16xf32>
          %swap3A_352 = vector.shape_cast %mul3A_345 : vector<16xf32> to vector<1x1x16xf32>
          tpu.vector_store %arg6[%swap3A_347, %swap3A_348, %swap3A_349], %swap3A_352 {strides = array<i32>} : memref<6x128x128xf32, #tpu.memory_space<vmem>>, vector<1x1x16xf32>,
          %get3A_353 = arith.constant 3 : i32
          %get3A_354 = arith.index_cast %get3A_353 : i32 to index
          %get3A_355 = arith.index_cast %scan3A_242 : i32 to index
          %get3A_356 = arith.constant 112 : index
          %get3A_357 = tpu.vector_load %arg6[%get3A_354, %get3A_355, %get3A_356] {strides = array<i32>} : memref<6x128x128xf32, #tpu.memory_space<vmem>>, vector<1x1x16xf32>,
          %get3A_358 = vector.shape_cast %get3A_357 : vector<1x1x16xf32> to vector<16xf32>
          %mul3A_359 = arith.constant 11.3137083 : f32
          %mul3A_360 = vector.broadcast %mul3A_359 : f32 to vector<16xf32>
          %mul3A_361 = arith.mulf %get3A_358, %mul3A_360 : vector<16xf32>
          %swap3A_362 = arith.constant 3 : i32
          %swap3A_363 = arith.index_cast %swap3A_362 : i32 to index
          %swap3A_364 = arith.index_cast %scan3A_242 : i32 to index
          %swap3A_365 = arith.constant 112 : index
          %swap3A_366 = tpu.vector_load %arg6[%swap3A_363, %swap3A_364, %swap3A_365] {strides = array<i32>} : memref<6x128x128xf32, #tpu.memory_space<vmem>>, vector<1x1x16xf32>,
          %swap3A_367 = vector.shape_cast %swap3A_366 : vector<1x1x16xf32> to vector<16xf32>
          %swap3A_368 = vector.shape_cast %mul3A_361 : vector<16xf32> to vector<1x1x16xf32>
          tpu.vector_store %arg6[%swap3A_363, %swap3A_364, %swap3A_365], %swap3A_368 {strides = array<i32>} : memref<6x128x128xf32, #tpu.memory_space<vmem>>, vector<1x1x16xf32>,
        }
        %scan3A_226 = arith.constant 128 : i32
        %mul3A_227 = arith.constant 128 : i32
        %mul3A_228 = arith.muli %sub3A_104, %mul3A_227 : i32
        %add3A_229 = arith.addi %mul3A_2, %mul3A_228 : i32
        %dma_start3A = arith.constant 3 : i32
        %dma_start3A_230 = arith.constant 0 : i32
        %dma_start3A_231 = arith.constant 0 : i32
        %dma_start3A_232 = tpu.memref_slice %arg6[%dma_start3A, %dma_start3A_230, %dma_start3A_231] : memref<6x128x128xf32, #tpu.memory_space<vmem>> -> memref<1x128x128xf32, #tpu.memory_space<vmem>>
        %dma_start3A_233 = tpu.memref_squeeze %dma_start3A_232 : memref<1x128x128xf32, #tpu.memory_space<vmem>> -> memref<128x128xf32, #tpu.memory_space<vmem>>
        %dma_start3A_234 = arith.constant 0 : i32
        %dma_start3A_235 = tpu.memref_slice %arg4[%add3A_229, %dma_start3A_234] : memref<819200x128xf32, #tpu.memory_space<hbm>> -> memref<128x128xf32, #tpu.memory_space<hbm>>
        %dma_start3A_236 = arith.constant 0 : i32
        %dma_start3A_237 = tpu.memref_slice %arg4[%add3A_229, %dma_start3A_236] : memref<819200x128xf32, #tpu.memory_space<hbm>> -> memref<128x128xf32, #tpu.memory_space<hbm>>
        %dma_start3A_238 = arith.constant 0 : i32
        %dma_start3A_239 = arith.constant 0 : i32
        %dma_start3A_240 = tpu.memref_slice %arg6[%dma_start3A, %dma_start3A_238, %dma_start3A_239] : memref<6x128x128xf32, #tpu.memory_space<vmem>> -> memref<1x128x128xf32, #tpu.memory_space<vmem>>
        %dma_start3A_241 = tpu.memref_squeeze %dma_start3A_240 : memref<1x128x128xf32, #tpu.memory_space<vmem>> -> memref<128x128xf32, #tpu.memory_space<vmem>>
        tpu.enqueue_dma source(%dma_start3A_241 : memref<128x128xf32, #tpu.memory_space<vmem>>) target(%dma_start3A_237 : memref<128x128xf32, #tpu.memory_space<hbm>>) target_semaphore(%arg16 : memref<!tpu.dma_semaphore, #tpu.memory_space<semaphore_mem>>)
      } else {
      }
      %mul3A_111 = arith.constant 6 : i32
      %mul3A_112 = arith.muli %scan3A_97, %mul3A_111 : i32
      %add3A_113 = arith.constant 1 : i32
      %add3A_114 = arith.addi %mul3A_112, %add3A_113 : i32
      %lt3A_115 = arith.constant 200 : i32
      %lt3A_116 = arith.cmpi slt, %add3A_114, %lt3A_115 : i32
      %convert_element_type3A_117 = arith.extui %lt3A_116 : i1 to i32
      %cond3A_118 = arith.constant 0 : i32
      %cond3A_119 = arith.cmpi ne, %convert_element_type3A_117, %cond3A_118 : i32
      scf.if %cond3A_119 {
        %ge3A_206 = arith.constant 6 : i32
        %ge3A_207 = arith.cmpi sge, %add3A_114, %ge3A_206 : i32
        %convert_element_type3A_208 = arith.extui %ge3A_207 : i1 to i32
        %cond3A_209 = arith.constant 0 : i32
        %cond3A_210 = arith.cmpi ne, %convert_element_type3A_208, %cond3A_209 : i32
        scf.if %cond3A_210 {
          %dma_wait3A_221 = arith.constant 1 : i32
          %dma_wait3A_222 = arith.constant 0 : i32
          %dma_wait3A_223 = arith.constant 0 : i32
          %dma_wait3A_224 = tpu.memref_slice %arg6[%dma_wait3A_221, %dma_wait3A_222, %dma_wait3A_223] : memref<6x128x128xf32, #tpu.memory_space<vmem>> -> memref<1x128x128xf32, #tpu.memory_space<vmem>>
          %dma_wait3A_225 = tpu.memref_squeeze %dma_wait3A_224 : memref<1x128x128xf32, #tpu.memory_space<vmem>> -> memref<128x128xf32, #tpu.memory_space<vmem>>
          %dma_wait3A_226 = arith.constant 0 : i32
          %dma_wait3A_227 = arith.constant 0 : i32
          %dma_wait3A_228 = tpu.memref_slice %arg4[%dma_wait3A_226, %dma_wait3A_227] : memref<819200x128xf32, #tpu.memory_space<hbm>> -> memref<128x128xf32, #tpu.memory_space<hbm>>
          %dma_wait3A_229 = arith.constant 0 : i32
          %dma_wait3A_230 = arith.constant 0 : i32
          %dma_wait3A_231 = tpu.memref_slice %arg4[%dma_wait3A_229, %dma_wait3A_230] : memref<819200x128xf32, #tpu.memory_space<hbm>> -> memref<128x128xf32, #tpu.memory_space<hbm>>
          %dma_wait3A_232 = arith.constant 0 : i32
          %dma_wait3A_233 = arith.constant 0 : i32
          %dma_wait3A_234 = tpu.memref_slice %arg6[%dma_wait3A_221, %dma_wait3A_232, %dma_wait3A_233] : memref<6x128x128xf32, #tpu.memory_space<vmem>> -> memref<1x128x128xf32, #tpu.memory_space<vmem>>
          %dma_wait3A_235 = tpu.memref_squeeze %dma_wait3A_234 : memref<1x128x128xf32, #tpu.memory_space<vmem>> -> memref<128x128xf32, #tpu.memory_space<vmem>>
          tpu.wait_dma2 semaphore(%arg14 : memref<!tpu.dma_semaphore, #tpu.memory_space<semaphore_mem>>) src(%dma_wait3A_235 : memref<128x128xf32, #tpu.memory_space<vmem>>) dst(%dma_wait3A_231 : memref<128x128xf32, #tpu.memory_space<hbm>>)
        } else {
        }
        %dma_start3A = arith.constant 1 : i32
        %dma_start3A_211 = arith.constant 0 : i32
        %dma_start3A_212 = arith.constant 0 : i32
        %dma_start3A_213 = tpu.memref_slice %arg6[%dma_start3A, %dma_start3A_211, %dma_start3A_212] : memref<6x128x128xf32, #tpu.memory_space<vmem>> -> memref<1x128x128xf32, #tpu.memory_space<vmem>>
        %dma_start3A_214 = tpu.memref_squeeze %dma_start3A_213 : memref<1x128x128xf32, #tpu.memory_space<vmem>> -> memref<128x128xf32, #tpu.memory_space<vmem>>
        %dma_start3A_215 = arith.constant 0 : i32
        %dma_start3A_216 = tpu.memref_slice %arg5[%add3A_114, %dma_start3A_215] : memref<200x128xi32, #tpu.memory_space<vmem>> -> memref<1x128xi32, #tpu.memory_space<vmem>>
        %dma_start3A_217 = tpu.memref_squeeze %dma_start3A_216 : memref<1x128xi32, #tpu.memory_space<vmem>> -> memref<128xi32, #tpu.memory_space<vmem>>
        %dma_start3A_218 = arith.constant 0 : i32
        %dma_start3A_219 = arith.constant 0 : i32
        %dma_start3A_220 = tpu.memref_slice %arg3[%dma_start3A_218, %dma_start3A_219] : memref<100000x128xf32, #tpu.memory_space<hbm>> -> memref<100000x128xf32, #tpu.memory_space<hbm>>
        tpu.enqueue_indirect_dma source(%dma_start3A_220 : memref<100000x128xf32, #tpu.memory_space<hbm>>) target(%dma_start3A_214 : memref<128x128xf32, #tpu.memory_space<vmem>>) offsets(%dma_start3A_217 : memref<128xi32, #tpu.memory_space<vmem>>) semaphore(%arg8 : memref<!tpu.dma_semaphore, #tpu.memory_space<semaphore_mem>>)
      } else {
      }
      %sub3A_120 = arith.constant 3 : i32
      %sub3A_121 = arith.subi %add3A_114, %sub3A_120 : i32
      %ge3A_122 = arith.constant 0 : i32
      %ge3A_123 = arith.cmpi sge, %sub3A_121, %ge3A_122 : i32
      %lt3A_124 = arith.constant 200 : i32
      %lt3A_125 = arith.cmpi slt, %sub3A_121, %lt3A_124 : i32
      %and3A_126 = arith.andi %ge3A_123, %lt3A_125 : i1
      %convert_element_type3A_127 = arith.extui %and3A_126 : i1 to i32
      %cond3A_128 = arith.constant 0 : i32
      %cond3A_129 = arith.cmpi ne, %convert_element_type3A_127, %cond3A_128 : i32
      scf.if %cond3A_129 {
        %dma_wait3A_206 = arith.constant 4 : i32
        %dma_wait3A_207 = arith.constant 0 : i32
        %dma_wait3A_208 = arith.constant 0 : i32
        %dma_wait3A_209 = tpu.memref_slice %arg6[%dma_wait3A_206, %dma_wait3A_207, %dma_wait3A_208] : memref<6x128x128xf32, #tpu.memory_space<vmem>> -> memref<1x128x128xf32, #tpu.memory_space<vmem>>
        %dma_wait3A_210 = tpu.memref_squeeze %dma_wait3A_209 : memref<1x128x128xf32, #tpu.memory_space<vmem>> -> memref<128x128xf32, #tpu.memory_space<vmem>>
        %dma_wait3A_211 = arith.constant 0 : i32
        %dma_wait3A_212 = arith.constant 0 : i32
        %dma_wait3A_213 = tpu.memref_slice %arg3[%dma_wait3A_211, %dma_wait3A_212] : memref<100000x128xf32, #tpu.memory_space<hbm>> -> memref<128x128xf32, #tpu.memory_space<hbm>>
        %dma_wait3A_214 = arith.constant 0 : i32
        %dma_wait3A_215 = arith.constant 0 : i32
        %dma_wait3A_216 = tpu.memref_slice %arg6[%dma_wait3A_206, %dma_wait3A_214, %dma_wait3A_215] : memref<6x128x128xf32, #tpu.memory_space<vmem>> -> memref<1x128x128xf32, #tpu.memory_space<vmem>>
        %dma_wait3A_217 = tpu.memref_squeeze %dma_wait3A_216 : memref<1x128x128xf32, #tpu.memory_space<vmem>> -> memref<128x128xf32, #tpu.memory_space<vmem>>
        %dma_wait3A_218 = arith.constant 0 : i32
        %dma_wait3A_219 = arith.constant 0 : i32
        %dma_wait3A_220 = tpu.memref_slice %arg3[%dma_wait3A_218, %dma_wait3A_219] : memref<100000x128xf32, #tpu.memory_space<hbm>> -> memref<128x128xf32, #tpu.memory_space<hbm>>
        tpu.wait_dma2 semaphore(%arg11 : memref<!tpu.dma_semaphore, #tpu.memory_space<semaphore_mem>>) src(%dma_wait3A_220 : memref<128x128xf32, #tpu.memory_space<hbm>>) dst(%dma_wait3A_217 : memref<128x128xf32, #tpu.memory_space<vmem>>)
        %scan3A_221 = arith.constant 0 : i32
        %scan3A_222 = arith.constant 0 : i32
        %scan3A_223 = arith.constant 128 : i32
        %scan3A_224 = arith.addi %scan3A_222, %scan3A_223 : i32
        %scan3A_225 = arith.constant 1 : i32
        scf.for %scan3A_242 = %scan3A_222 to %scan3A_224 step %scan3A_225  : i32 {
          %get3A = arith.constant 4 : i32
          %get3A_243 = arith.index_cast %get3A : i32 to index
          %get3A_244 = arith.index_cast %scan3A_242 : i32 to index
          %get3A_245 = arith.constant 0 : index
          %get3A_246 = tpu.vector_load %arg6[%get3A_243, %get3A_244, %get3A_245] {strides = array<i32>} : memref<6x128x128xf32, #tpu.memory_space<vmem>>, vector<1x1x16xf32>,
          %get3A_247 = vector.shape_cast %get3A_246 : vector<1x1x16xf32> to vector<16xf32>
          %mul3A_248 = arith.constant 11.3137083 : f32
          %mul3A_249 = vector.broadcast %mul3A_248 : f32 to vector<16xf32>
          %mul3A_250 = arith.mulf %get3A_247, %mul3A_249 : vector<16xf32>
          %swap3A = arith.constant 4 : i32
          %swap3A_251 = arith.index_cast %swap3A : i32 to index
          %swap3A_252 = arith.index_cast %scan3A_242 : i32 to index
          %swap3A_253 = arith.constant 0 : index
          %swap3A_254 = tpu.vector_load %arg6[%swap3A_251, %swap3A_252, %swap3A_253] {strides = array<i32>} : memref<6x128x128xf32, #tpu.memory_space<vmem>>, vector<1x1x16xf32>,
          %swap3A_255 = vector.shape_cast %swap3A_254 : vector<1x1x16xf32> to vector<16xf32>
          %swap3A_256 = vector.shape_cast %mul3A_250 : vector<16xf32> to vector<1x1x16xf32>
          tpu.vector_store %arg6[%swap3A_251, %swap3A_252, %swap3A_253], %swap3A_256 {strides = array<i32>} : memref<6x128x128xf32, #tpu.memory_space<vmem>>, vector<1x1x16xf32>,
          %get3A_257 = arith.constant 4 : i32
          %get3A_258 = arith.index_cast %get3A_257 : i32 to index
          %get3A_259 = arith.index_cast %scan3A_242 : i32 to index
          %get3A_260 = arith.constant 16 : index
          %get3A_261 = tpu.vector_load %arg6[%get3A_258, %get3A_259, %get3A_260] {strides = array<i32>} : memref<6x128x128xf32, #tpu.memory_space<vmem>>, vector<1x1x16xf32>,
          %get3A_262 = vector.shape_cast %get3A_261 : vector<1x1x16xf32> to vector<16xf32>
          %mul3A_263 = arith.constant 11.3137083 : f32
          %mul3A_264 = vector.broadcast %mul3A_263 : f32 to vector<16xf32>
          %mul3A_265 = arith.mulf %get3A_262, %mul3A_264 : vector<16xf32>
          %swap3A_266 = arith.constant 4 : i32
          %swap3A_267 = arith.index_cast %swap3A_266 : i32 to index
          %swap3A_268 = arith.index_cast %scan3A_242 : i32 to index
          %swap3A_269 = arith.constant 16 : index
          %swap3A_270 = tpu.vector_load %arg6[%swap3A_267, %swap3A_268, %swap3A_269] {strides = array<i32>} : memref<6x128x128xf32, #tpu.memory_space<vmem>>, vector<1x1x16xf32>,
          %swap3A_271 = vector.shape_cast %swap3A_270 : vector<1x1x16xf32> to vector<16xf32>
          %swap3A_272 = vector.shape_cast %mul3A_265 : vector<16xf32> to vector<1x1x16xf32>
          tpu.vector_store %arg6[%swap3A_267, %swap3A_268, %swap3A_269], %swap3A_272 {strides = array<i32>} : memref<6x128x128xf32, #tpu.memory_space<vmem>>, vector<1x1x16xf32>,
          %get3A_273 = arith.constant 4 : i32
          %get3A_274 = arith.index_cast %get3A_273 : i32 to index
          %get3A_275 = arith.index_cast %scan3A_242 : i32 to index
          %get3A_276 = arith.constant 32 : index
          %get3A_277 = tpu.vector_load %arg6[%get3A_274, %get3A_275, %get3A_276] {strides = array<i32>} : memref<6x128x128xf32, #tpu.memory_space<vmem>>, vector<1x1x16xf32>,
          %get3A_278 = vector.shape_cast %get3A_277 : vector<1x1x16xf32> to vector<16xf32>
          %mul3A_279 = arith.constant 11.3137083 : f32
          %mul3A_280 = vector.broadcast %mul3A_279 : f32 to vector<16xf32>
          %mul3A_281 = arith.mulf %get3A_278, %mul3A_280 : vector<16xf32>
          %swap3A_282 = arith.constant 4 : i32
          %swap3A_283 = arith.index_cast %swap3A_282 : i32 to index
          %swap3A_284 = arith.index_cast %scan3A_242 : i32 to index
          %swap3A_285 = arith.constant 32 : index
          %swap3A_286 = tpu.vector_load %arg6[%swap3A_283, %swap3A_284, %swap3A_285] {strides = array<i32>} : memref<6x128x128xf32, #tpu.memory_space<vmem>>, vector<1x1x16xf32>,
          %swap3A_287 = vector.shape_cast %swap3A_286 : vector<1x1x16xf32> to vector<16xf32>
          %swap3A_288 = vector.shape_cast %mul3A_281 : vector<16xf32> to vector<1x1x16xf32>
          tpu.vector_store %arg6[%swap3A_283, %swap3A_284, %swap3A_285], %swap3A_288 {strides = array<i32>} : memref<6x128x128xf32, #tpu.memory_space<vmem>>, vector<1x1x16xf32>,
          %get3A_289 = arith.constant 4 : i32
          %get3A_290 = arith.index_cast %get3A_289 : i32 to index
          %get3A_291 = arith.index_cast %scan3A_242 : i32 to index
          %get3A_292 = arith.constant 48 : index
          %get3A_293 = tpu.vector_load %arg6[%get3A_290, %get3A_291, %get3A_292] {strides = array<i32>} : memref<6x128x128xf32, #tpu.memory_space<vmem>>, vector<1x1x16xf32>,
          %get3A_294 = vector.shape_cast %get3A_293 : vector<1x1x16xf32> to vector<16xf32>
          %mul3A_295 = arith.constant 11.3137083 : f32
          %mul3A_296 = vector.broadcast %mul3A_295 : f32 to vector<16xf32>
          %mul3A_297 = arith.mulf %get3A_294, %mul3A_296 : vector<16xf32>
          %swap3A_298 = arith.constant 4 : i32
          %swap3A_299 = arith.index_cast %swap3A_298 : i32 to index
          %swap3A_300 = arith.index_cast %scan3A_242 : i32 to index
          %swap3A_301 = arith.constant 48 : index
          %swap3A_302 = tpu.vector_load %arg6[%swap3A_299, %swap3A_300, %swap3A_301] {strides = array<i32>} : memref<6x128x128xf32, #tpu.memory_space<vmem>>, vector<1x1x16xf32>,
          %swap3A_303 = vector.shape_cast %swap3A_302 : vector<1x1x16xf32> to vector<16xf32>
          %swap3A_304 = vector.shape_cast %mul3A_297 : vector<16xf32> to vector<1x1x16xf32>
          tpu.vector_store %arg6[%swap3A_299, %swap3A_300, %swap3A_301], %swap3A_304 {strides = array<i32>} : memref<6x128x128xf32, #tpu.memory_space<vmem>>, vector<1x1x16xf32>,
          %get3A_305 = arith.constant 4 : i32
          %get3A_306 = arith.index_cast %get3A_305 : i32 to index
          %get3A_307 = arith.index_cast %scan3A_242 : i32 to index
          %get3A_308 = arith.constant 64 : index
          %get3A_309 = tpu.vector_load %arg6[%get3A_306, %get3A_307, %get3A_308] {strides = array<i32>} : memref<6x128x128xf32, #tpu.memory_space<vmem>>, vector<1x1x16xf32>,
          %get3A_310 = vector.shape_cast %get3A_309 : vector<1x1x16xf32> to vector<16xf32>
          %mul3A_311 = arith.constant 11.3137083 : f32
          %mul3A_312 = vector.broadcast %mul3A_311 : f32 to vector<16xf32>
          %mul3A_313 = arith.mulf %get3A_310, %mul3A_312 : vector<16xf32>
          %swap3A_314 = arith.constant 4 : i32
          %swap3A_315 = arith.index_cast %swap3A_314 : i32 to index
          %swap3A_316 = arith.index_cast %scan3A_242 : i32 to index
          %swap3A_317 = arith.constant 64 : index
          %swap3A_318 = tpu.vector_load %arg6[%swap3A_315, %swap3A_316, %swap3A_317] {strides = array<i32>} : memref<6x128x128xf32, #tpu.memory_space<vmem>>, vector<1x1x16xf32>,
          %swap3A_319 = vector.shape_cast %swap3A_318 : vector<1x1x16xf32> to vector<16xf32>
          %swap3A_320 = vector.shape_cast %mul3A_313 : vector<16xf32> to vector<1x1x16xf32>
          tpu.vector_store %arg6[%swap3A_315, %swap3A_316, %swap3A_317], %swap3A_320 {strides = array<i32>} : memref<6x128x128xf32, #tpu.memory_space<vmem>>, vector<1x1x16xf32>,
          %get3A_321 = arith.constant 4 : i32
          %get3A_322 = arith.index_cast %get3A_321 : i32 to index
          %get3A_323 = arith.index_cast %scan3A_242 : i32 to index
          %get3A_324 = arith.constant 80 : index
          %get3A_325 = tpu.vector_load %arg6[%get3A_322, %get3A_323, %get3A_324] {strides = array<i32>} : memref<6x128x128xf32, #tpu.memory_space<vmem>>, vector<1x1x16xf32>,
          %get3A_326 = vector.shape_cast %get3A_325 : vector<1x1x16xf32> to vector<16xf32>
          %mul3A_327 = arith.constant 11.3137083 : f32
          %mul3A_328 = vector.broadcast %mul3A_327 : f32 to vector<16xf32>
          %mul3A_329 = arith.mulf %get3A_326, %mul3A_328 : vector<16xf32>
          %swap3A_330 = arith.constant 4 : i32
          %swap3A_331 = arith.index_cast %swap3A_330 : i32 to index
          %swap3A_332 = arith.index_cast %scan3A_242 : i32 to index
          %swap3A_333 = arith.constant 80 : index
          %swap3A_334 = tpu.vector_load %arg6[%swap3A_331, %swap3A_332, %swap3A_333] {strides = array<i32>} : memref<6x128x128xf32, #tpu.memory_space<vmem>>, vector<1x1x16xf32>,
          %swap3A_335 = vector.shape_cast %swap3A_334 : vector<1x1x16xf32> to vector<16xf32>
          %swap3A_336 = vector.shape_cast %mul3A_329 : vector<16xf32> to vector<1x1x16xf32>
          tpu.vector_store %arg6[%swap3A_331, %swap3A_332, %swap3A_333], %swap3A_336 {strides = array<i32>} : memref<6x128x128xf32, #tpu.memory_space<vmem>>, vector<1x1x16xf32>,
          %get3A_337 = arith.constant 4 : i32
          %get3A_338 = arith.index_cast %get3A_337 : i32 to index
          %get3A_339 = arith.index_cast %scan3A_242 : i32 to index
          %get3A_340 = arith.constant 96 : index
          %get3A_341 = tpu.vector_load %arg6[%get3A_338, %get3A_339, %get3A_340] {strides = array<i32>} : memref<6x128x128xf32, #tpu.memory_space<vmem>>, vector<1x1x16xf32>,
          %get3A_342 = vector.shape_cast %get3A_341 : vector<1x1x16xf32> to vector<16xf32>
          %mul3A_343 = arith.constant 11.3137083 : f32
          %mul3A_344 = vector.broadcast %mul3A_343 : f32 to vector<16xf32>
          %mul3A_345 = arith.mulf %get3A_342, %mul3A_344 : vector<16xf32>
          %swap3A_346 = arith.constant 4 : i32
          %swap3A_347 = arith.index_cast %swap3A_346 : i32 to index
          %swap3A_348 = arith.index_cast %scan3A_242 : i32 to index
          %swap3A_349 = arith.constant 96 : index
          %swap3A_350 = tpu.vector_load %arg6[%swap3A_347, %swap3A_348, %swap3A_349] {strides = array<i32>} : memref<6x128x128xf32, #tpu.memory_space<vmem>>, vector<1x1x16xf32>,
          %swap3A_351 = vector.shape_cast %swap3A_350 : vector<1x1x16xf32> to vector<16xf32>
          %swap3A_352 = vector.shape_cast %mul3A_345 : vector<16xf32> to vector<1x1x16xf32>
          tpu.vector_store %arg6[%swap3A_347, %swap3A_348, %swap3A_349], %swap3A_352 {strides = array<i32>} : memref<6x128x128xf32, #tpu.memory_space<vmem>>, vector<1x1x16xf32>,
          %get3A_353 = arith.constant 4 : i32
          %get3A_354 = arith.index_cast %get3A_353 : i32 to index
          %get3A_355 = arith.index_cast %scan3A_242 : i32 to index
          %get3A_356 = arith.constant 112 : index
          %get3A_357 = tpu.vector_load %arg6[%get3A_354, %get3A_355, %get3A_356] {strides = array<i32>} : memref<6x128x128xf32, #tpu.memory_space<vmem>>, vector<1x1x16xf32>,
          %get3A_358 = vector.shape_cast %get3A_357 : vector<1x1x16xf32> to vector<16xf32>
          %mul3A_359 = arith.constant 11.3137083 : f32
          %mul3A_360 = vector.broadcast %mul3A_359 : f32 to vector<16xf32>
          %mul3A_361 = arith.mulf %get3A_358, %mul3A_360 : vector<16xf32>
          %swap3A_362 = arith.constant 4 : i32
          %swap3A_363 = arith.index_cast %swap3A_362 : i32 to index
          %swap3A_364 = arith.index_cast %scan3A_242 : i32 to index
          %swap3A_365 = arith.constant 112 : index
          %swap3A_366 = tpu.vector_load %arg6[%swap3A_363, %swap3A_364, %swap3A_365] {strides = array<i32>} : memref<6x128x128xf32, #tpu.memory_space<vmem>>, vector<1x1x16xf32>,
          %swap3A_367 = vector.shape_cast %swap3A_366 : vector<1x1x16xf32> to vector<16xf32>
          %swap3A_368 = vector.shape_cast %mul3A_361 : vector<16xf32> to vector<1x1x16xf32>
          tpu.vector_store %arg6[%swap3A_363, %swap3A_364, %swap3A_365], %swap3A_368 {strides = array<i32>} : memref<6x128x128xf32, #tpu.memory_space<vmem>>, vector<1x1x16xf32>,
        }
        %scan3A_226 = arith.constant 128 : i32
        %mul3A_227 = arith.constant 128 : i32
        %mul3A_228 = arith.muli %sub3A_121, %mul3A_227 : i32
        %add3A_229 = arith.addi %mul3A_2, %mul3A_228 : i32
        %dma_start3A = arith.constant 4 : i32
        %dma_start3A_230 = arith.constant 0 : i32
        %dma_start3A_231 = arith.constant 0 : i32
        %dma_start3A_232 = tpu.memref_slice %arg6[%dma_start3A, %dma_start3A_230, %dma_start3A_231] : memref<6x128x128xf32, #tpu.memory_space<vmem>> -> memref<1x128x128xf32, #tpu.memory_space<vmem>>
        %dma_start3A_233 = tpu.memref_squeeze %dma_start3A_232 : memref<1x128x128xf32, #tpu.memory_space<vmem>> -> memref<128x128xf32, #tpu.memory_space<vmem>>
        %dma_start3A_234 = arith.constant 0 : i32
        %dma_start3A_235 = tpu.memref_slice %arg4[%add3A_229, %dma_start3A_234] : memref<819200x128xf32, #tpu.memory_space<hbm>> -> memref<128x128xf32, #tpu.memory_space<hbm>>
        %dma_start3A_236 = arith.constant 0 : i32
        %dma_start3A_237 = tpu.memref_slice %arg4[%add3A_229, %dma_start3A_236] : memref<819200x128xf32, #tpu.memory_space<hbm>> -> memref<128x128xf32, #tpu.memory_space<hbm>>
        %dma_start3A_238 = arith.constant 0 : i32
        %dma_start3A_239 = arith.constant 0 : i32
        %dma_start3A_240 = tpu.memref_slice %arg6[%dma_start3A, %dma_start3A_238, %dma_start3A_239] : memref<6x128x128xf32, #tpu.memory_space<vmem>> -> memref<1x128x128xf32, #tpu.memory_space<vmem>>
        %dma_start3A_241 = tpu.memref_squeeze %dma_start3A_240 : memref<1x128x128xf32, #tpu.memory_space<vmem>> -> memref<128x128xf32, #tpu.memory_space<vmem>>
        tpu.enqueue_dma source(%dma_start3A_241 : memref<128x128xf32, #tpu.memory_space<vmem>>) target(%dma_start3A_237 : memref<128x128xf32, #tpu.memory_space<hbm>>) target_semaphore(%arg17 : memref<!tpu.dma_semaphore, #tpu.memory_space<semaphore_mem>>)
      } else {
      }
      %mul3A_130 = arith.constant 6 : i32
      %mul3A_131 = arith.muli %scan3A_97, %mul3A_130 : i32
      %add3A_132 = arith.constant 2 : i32
      %add3A_133 = arith.addi %mul3A_131, %add3A_132 : i32
      %lt3A_134 = arith.constant 200 : i32
      %lt3A_135 = arith.cmpi slt, %add3A_133, %lt3A_134 : i32
      %convert_element_type3A_136 = arith.extui %lt3A_135 : i1 to i32
      %cond3A_137 = arith.constant 0 : i32
      %cond3A_138 = arith.cmpi ne, %convert_element_type3A_136, %cond3A_137 : i32
      scf.if %cond3A_138 {
        %ge3A_206 = arith.constant 6 : i32
        %ge3A_207 = arith.cmpi sge, %add3A_133, %ge3A_206 : i32
        %convert_element_type3A_208 = arith.extui %ge3A_207 : i1 to i32
        %cond3A_209 = arith.constant 0 : i32
        %cond3A_210 = arith.cmpi ne, %convert_element_type3A_208, %cond3A_209 : i32
        scf.if %cond3A_210 {
          %dma_wait3A_221 = arith.constant 2 : i32
          %dma_wait3A_222 = arith.constant 0 : i32
          %dma_wait3A_223 = arith.constant 0 : i32
          %dma_wait3A_224 = tpu.memref_slice %arg6[%dma_wait3A_221, %dma_wait3A_222, %dma_wait3A_223] : memref<6x128x128xf32, #tpu.memory_space<vmem>> -> memref<1x128x128xf32, #tpu.memory_space<vmem>>
          %dma_wait3A_225 = tpu.memref_squeeze %dma_wait3A_224 : memref<1x128x128xf32, #tpu.memory_space<vmem>> -> memref<128x128xf32, #tpu.memory_space<vmem>>
          %dma_wait3A_226 = arith.constant 0 : i32
          %dma_wait3A_227 = arith.constant 0 : i32
          %dma_wait3A_228 = tpu.memref_slice %arg4[%dma_wait3A_226, %dma_wait3A_227] : memref<819200x128xf32, #tpu.memory_space<hbm>> -> memref<128x128xf32, #tpu.memory_space<hbm>>
          %dma_wait3A_229 = arith.constant 0 : i32
          %dma_wait3A_230 = arith.constant 0 : i32
          %dma_wait3A_231 = tpu.memref_slice %arg4[%dma_wait3A_229, %dma_wait3A_230] : memref<819200x128xf32, #tpu.memory_space<hbm>> -> memref<128x128xf32, #tpu.memory_space<hbm>>
          %dma_wait3A_232 = arith.constant 0 : i32
          %dma_wait3A_233 = arith.constant 0 : i32
          %dma_wait3A_234 = tpu.memref_slice %arg6[%dma_wait3A_221, %dma_wait3A_232, %dma_wait3A_233] : memref<6x128x128xf32, #tpu.memory_space<vmem>> -> memref<1x128x128xf32, #tpu.memory_space<vmem>>
          %dma_wait3A_235 = tpu.memref_squeeze %dma_wait3A_234 : memref<1x128x128xf32, #tpu.memory_space<vmem>> -> memref<128x128xf32, #tpu.memory_space<vmem>>
          tpu.wait_dma2 semaphore(%arg15 : memref<!tpu.dma_semaphore, #tpu.memory_space<semaphore_mem>>) src(%dma_wait3A_235 : memref<128x128xf32, #tpu.memory_space<vmem>>) dst(%dma_wait3A_231 : memref<128x128xf32, #tpu.memory_space<hbm>>)
        } else {
        }
        %dma_start3A = arith.constant 2 : i32
        %dma_start3A_211 = arith.constant 0 : i32
        %dma_start3A_212 = arith.constant 0 : i32
        %dma_start3A_213 = tpu.memref_slice %arg6[%dma_start3A, %dma_start3A_211, %dma_start3A_212] : memref<6x128x128xf32, #tpu.memory_space<vmem>> -> memref<1x128x128xf32, #tpu.memory_space<vmem>>
        %dma_start3A_214 = tpu.memref_squeeze %dma_start3A_213 : memref<1x128x128xf32, #tpu.memory_space<vmem>> -> memref<128x128xf32, #tpu.memory_space<vmem>>
        %dma_start3A_215 = arith.constant 0 : i32
        %dma_start3A_216 = tpu.memref_slice %arg5[%add3A_133, %dma_start3A_215] : memref<200x128xi32, #tpu.memory_space<vmem>> -> memref<1x128xi32, #tpu.memory_space<vmem>>
        %dma_start3A_217 = tpu.memref_squeeze %dma_start3A_216 : memref<1x128xi32, #tpu.memory_space<vmem>> -> memref<128xi32, #tpu.memory_space<vmem>>
        %dma_start3A_218 = arith.constant 0 : i32
        %dma_start3A_219 = arith.constant 0 : i32
        %dma_start3A_220 = tpu.memref_slice %arg3[%dma_start3A_218, %dma_start3A_219] : memref<100000x128xf32, #tpu.memory_space<hbm>> -> memref<100000x128xf32, #tpu.memory_space<hbm>>
        tpu.enqueue_indirect_dma source(%dma_start3A_220 : memref<100000x128xf32, #tpu.memory_space<hbm>>) target(%dma_start3A_214 : memref<128x128xf32, #tpu.memory_space<vmem>>) offsets(%dma_start3A_217 : memref<128xi32, #tpu.memory_space<vmem>>) semaphore(%arg9 : memref<!tpu.dma_semaphore, #tpu.memory_space<semaphore_mem>>)
      } else {
      }
      %sub3A_139 = arith.constant 3 : i32
      %sub3A_140 = arith.subi %add3A_133, %sub3A_139 : i32
      %ge3A_141 = arith.constant 0 : i32
      %ge3A_142 = arith.cmpi sge, %sub3A_140, %ge3A_141 : i32
      %lt3A_143 = arith.constant 200 : i32
      %lt3A_144 = arith.cmpi slt, %sub3A_140, %lt3A_143 : i32
      %and3A_145 = arith.andi %ge3A_142, %lt3A_144 : i1
      %convert_element_type3A_146 = arith.extui %and3A_145 : i1 to i32
      %cond3A_147 = arith.constant 0 : i32
      %cond3A_148 = arith.cmpi ne, %convert_element_type3A_146, %cond3A_147 : i32
      scf.if %cond3A_148 {
        %dma_wait3A_206 = arith.constant 5 : i32
        %dma_wait3A_207 = arith.constant 0 : i32
        %dma_wait3A_208 = arith.constant 0 : i32
        %dma_wait3A_209 = tpu.memref_slice %arg6[%dma_wait3A_206, %dma_wait3A_207, %dma_wait3A_208] : memref<6x128x128xf32, #tpu.memory_space<vmem>> -> memref<1x128x128xf32, #tpu.memory_space<vmem>>
        %dma_wait3A_210 = tpu.memref_squeeze %dma_wait3A_209 : memref<1x128x128xf32, #tpu.memory_space<vmem>> -> memref<128x128xf32, #tpu.memory_space<vmem>>
        %dma_wait3A_211 = arith.constant 0 : i32
        %dma_wait3A_212 = arith.constant 0 : i32
        %dma_wait3A_213 = tpu.memref_slice %arg3[%dma_wait3A_211, %dma_wait3A_212] : memref<100000x128xf32, #tpu.memory_space<hbm>> -> memref<128x128xf32, #tpu.memory_space<hbm>>
        %dma_wait3A_214 = arith.constant 0 : i32
        %dma_wait3A_215 = arith.constant 0 : i32
        %dma_wait3A_216 = tpu.memref_slice %arg6[%dma_wait3A_206, %dma_wait3A_214, %dma_wait3A_215] : memref<6x128x128xf32, #tpu.memory_space<vmem>> -> memref<1x128x128xf32, #tpu.memory_space<vmem>>
        %dma_wait3A_217 = tpu.memref_squeeze %dma_wait3A_216 : memref<1x128x128xf32, #tpu.memory_space<vmem>> -> memref<128x128xf32, #tpu.memory_space<vmem>>
        %dma_wait3A_218 = arith.constant 0 : i32
        %dma_wait3A_219 = arith.constant 0 : i32
        %dma_wait3A_220 = tpu.memref_slice %arg3[%dma_wait3A_218, %dma_wait3A_219] : memref<100000x128xf32, #tpu.memory_space<hbm>> -> memref<128x128xf32, #tpu.memory_space<hbm>>
        tpu.wait_dma2 semaphore(%arg12 : memref<!tpu.dma_semaphore, #tpu.memory_space<semaphore_mem>>) src(%dma_wait3A_220 : memref<128x128xf32, #tpu.memory_space<hbm>>) dst(%dma_wait3A_217 : memref<128x128xf32, #tpu.memory_space<vmem>>)
        %scan3A_221 = arith.constant 0 : i32
        %scan3A_222 = arith.constant 0 : i32
        %scan3A_223 = arith.constant 128 : i32
        %scan3A_224 = arith.addi %scan3A_222, %scan3A_223 : i32
        %scan3A_225 = arith.constant 1 : i32
        scf.for %scan3A_242 = %scan3A_222 to %scan3A_224 step %scan3A_225  : i32 {
          %get3A = arith.constant 5 : i32
          %get3A_243 = arith.index_cast %get3A : i32 to index
          %get3A_244 = arith.index_cast %scan3A_242 : i32 to index
          %get3A_245 = arith.constant 0 : index
          %get3A_246 = tpu.vector_load %arg6[%get3A_243, %get3A_244, %get3A_245] {strides = array<i32>} : memref<6x128x128xf32, #tpu.memory_space<vmem>>, vector<1x1x16xf32>,
          %get3A_247 = vector.shape_cast %get3A_246 : vector<1x1x16xf32> to vector<16xf32>
          %mul3A_248 = arith.constant 11.3137083 : f32
          %mul3A_249 = vector.broadcast %mul3A_248 : f32 to vector<16xf32>
          %mul3A_250 = arith.mulf %get3A_247, %mul3A_249 : vector<16xf32>
          %swap3A = arith.constant 5 : i32
          %swap3A_251 = arith.index_cast %swap3A : i32 to index
          %swap3A_252 = arith.index_cast %scan3A_242 : i32 to index
          %swap3A_253 = arith.constant 0 : index
          %swap3A_254 = tpu.vector_load %arg6[%swap3A_251, %swap3A_252, %swap3A_253] {strides = array<i32>} : memref<6x128x128xf32, #tpu.memory_space<vmem>>, vector<1x1x16xf32>,
          %swap3A_255 = vector.shape_cast %swap3A_254 : vector<1x1x16xf32> to vector<16xf32>
          %swap3A_256 = vector.shape_cast %mul3A_250 : vector<16xf32> to vector<1x1x16xf32>
          tpu.vector_store %arg6[%swap3A_251, %swap3A_252, %swap3A_253], %swap3A_256 {strides = array<i32>} : memref<6x128x128xf32, #tpu.memory_space<vmem>>, vector<1x1x16xf32>,
          %get3A_257 = arith.constant 5 : i32
          %get3A_258 = arith.index_cast %get3A_257 : i32 to index
          %get3A_259 = arith.index_cast %scan3A_242 : i32 to index
          %get3A_260 = arith.constant 16 : index
          %get3A_261 = tpu.vector_load %arg6[%get3A_258, %get3A_259, %get3A_260] {strides = array<i32>} : memref<6x128x128xf32, #tpu.memory_space<vmem>>, vector<1x1x16xf32>,
          %get3A_262 = vector.shape_cast %get3A_261 : vector<1x1x16xf32> to vector<16xf32>
          %mul3A_263 = arith.constant 11.3137083 : f32
          %mul3A_264 = vector.broadcast %mul3A_263 : f32 to vector<16xf32>
          %mul3A_265 = arith.mulf %get3A_262, %mul3A_264 : vector<16xf32>
          %swap3A_266 = arith.constant 5 : i32
          %swap3A_267 = arith.index_cast %swap3A_266 : i32 to index
          %swap3A_268 = arith.index_cast %scan3A_242 : i32 to index
          %swap3A_269 = arith.constant 16 : index
          %swap3A_270 = tpu.vector_load %arg6[%swap3A_267, %swap3A_268, %swap3A_269] {strides = array<i32>} : memref<6x128x128xf32, #tpu.memory_space<vmem>>, vector<1x1x16xf32>,
          %swap3A_271 = vector.shape_cast %swap3A_270 : vector<1x1x16xf32> to vector<16xf32>
          %swap3A_272 = vector.shape_cast %mul3A_265 : vector<16xf32> to vector<1x1x16xf32>
          tpu.vector_store %arg6[%swap3A_267, %swap3A_268, %swap3A_269], %swap3A_272 {strides = array<i32>} : memref<6x128x128xf32, #tpu.memory_space<vmem>>, vector<1x1x16xf32>,
          %get3A_273 = arith.constant 5 : i32
          %get3A_274 = arith.index_cast %get3A_273 : i32 to index
          %get3A_275 = arith.index_cast %scan3A_242 : i32 to index
          %get3A_276 = arith.constant 32 : index
          %get3A_277 = tpu.vector_load %arg6[%get3A_274, %get3A_275, %get3A_276] {strides = array<i32>} : memref<6x128x128xf32, #tpu.memory_space<vmem>>, vector<1x1x16xf32>,
          %get3A_278 = vector.shape_cast %get3A_277 : vector<1x1x16xf32> to vector<16xf32>
          %mul3A_279 = arith.constant 11.3137083 : f32
          %mul3A_280 = vector.broadcast %mul3A_279 : f32 to vector<16xf32>
          %mul3A_281 = arith.mulf %get3A_278, %mul3A_280 : vector<16xf32>
          %swap3A_282 = arith.constant 5 : i32
          %swap3A_283 = arith.index_cast %swap3A_282 : i32 to index
          %swap3A_284 = arith.index_cast %scan3A_242 : i32 to index
          %swap3A_285 = arith.constant 32 : index
          %swap3A_286 = tpu.vector_load %arg6[%swap3A_283, %swap3A_284, %swap3A_285] {strides = array<i32>} : memref<6x128x128xf32, #tpu.memory_space<vmem>>, vector<1x1x16xf32>,
          %swap3A_287 = vector.shape_cast %swap3A_286 : vector<1x1x16xf32> to vector<16xf32>
          %swap3A_288 = vector.shape_cast %mul3A_281 : vector<16xf32> to vector<1x1x16xf32>
          tpu.vector_store %arg6[%swap3A_283, %swap3A_284, %swap3A_285], %swap3A_288 {strides = array<i32>} : memref<6x128x128xf32, #tpu.memory_space<vmem>>, vector<1x1x16xf32>,
          %get3A_289 = arith.constant 5 : i32
          %get3A_290 = arith.index_cast %get3A_289 : i32 to index
          %get3A_291 = arith.index_cast %scan3A_242 : i32 to index
          %get3A_292 = arith.constant 48 : index
          %get3A_293 = tpu.vector_load %arg6[%get3A_290, %get3A_291, %get3A_292] {strides = array<i32>} : memref<6x128x128xf32, #tpu.memory_space<vmem>>, vector<1x1x16xf32>,
          %get3A_294 = vector.shape_cast %get3A_293 : vector<1x1x16xf32> to vector<16xf32>
          %mul3A_295 = arith.constant 11.3137083 : f32
          %mul3A_296 = vector.broadcast %mul3A_295 : f32 to vector<16xf32>
          %mul3A_297 = arith.mulf %get3A_294, %mul3A_296 : vector<16xf32>
          %swap3A_298 = arith.constant 5 : i32
          %swap3A_299 = arith.index_cast %swap3A_298 : i32 to index
          %swap3A_300 = arith.index_cast %scan3A_242 : i32 to index
          %swap3A_301 = arith.constant 48 : index
          %swap3A_302 = tpu.vector_load %arg6[%swap3A_299, %swap3A_300, %swap3A_301] {strides = array<i32>} : memref<6x128x128xf32, #tpu.memory_space<vmem>>, vector<1x1x16xf32>,
          %swap3A_303 = vector.shape_cast %swap3A_302 : vector<1x1x16xf32> to vector<16xf32>
          %swap3A_304 = vector.shape_cast %mul3A_297 : vector<16xf32> to vector<1x1x16xf32>
          tpu.vector_store %arg6[%swap3A_299, %swap3A_300, %swap3A_301], %swap3A_304 {strides = array<i32>} : memref<6x128x128xf32, #tpu.memory_space<vmem>>, vector<1x1x16xf32>,
          %get3A_305 = arith.constant 5 : i32
          %get3A_306 = arith.index_cast %get3A_305 : i32 to index
          %get3A_307 = arith.index_cast %scan3A_242 : i32 to index
          %get3A_308 = arith.constant 64 : index
          %get3A_309 = tpu.vector_load %arg6[%get3A_306, %get3A_307, %get3A_308] {strides = array<i32>} : memref<6x128x128xf32, #tpu.memory_space<vmem>>, vector<1x1x16xf32>,
          %get3A_310 = vector.shape_cast %get3A_309 : vector<1x1x16xf32> to vector<16xf32>
          %mul3A_311 = arith.constant 11.3137083 : f32
          %mul3A_312 = vector.broadcast %mul3A_311 : f32 to vector<16xf32>
          %mul3A_313 = arith.mulf %get3A_310, %mul3A_312 : vector<16xf32>
          %swap3A_314 = arith.constant 5 : i32
          %swap3A_315 = arith.index_cast %swap3A_314 : i32 to index
          %swap3A_316 = arith.index_cast %scan3A_242 : i32 to index
          %swap3A_317 = arith.constant 64 : index
          %swap3A_318 = tpu.vector_load %arg6[%swap3A_315, %swap3A_316, %swap3A_317] {strides = array<i32>} : memref<6x128x128xf32, #tpu.memory_space<vmem>>, vector<1x1x16xf32>,
          %swap3A_319 = vector.shape_cast %swap3A_318 : vector<1x1x16xf32> to vector<16xf32>
          %swap3A_320 = vector.shape_cast %mul3A_313 : vector<16xf32> to vector<1x1x16xf32>
          tpu.vector_store %arg6[%swap3A_315, %swap3A_316, %swap3A_317], %swap3A_320 {strides = array<i32>} : memref<6x128x128xf32, #tpu.memory_space<vmem>>, vector<1x1x16xf32>,
          %get3A_321 = arith.constant 5 : i32
          %get3A_322 = arith.index_cast %get3A_321 : i32 to index
          %get3A_323 = arith.index_cast %scan3A_242 : i32 to index
          %get3A_324 = arith.constant 80 : index
          %get3A_325 = tpu.vector_load %arg6[%get3A_322, %get3A_323, %get3A_324] {strides = array<i32>} : memref<6x128x128xf32, #tpu.memory_space<vmem>>, vector<1x1x16xf32>,
          %get3A_326 = vector.shape_cast %get3A_325 : vector<1x1x16xf32> to vector<16xf32>
          %mul3A_327 = arith.constant 11.3137083 : f32
          %mul3A_328 = vector.broadcast %mul3A_327 : f32 to vector<16xf32>
          %mul3A_329 = arith.mulf %get3A_326, %mul3A_328 : vector<16xf32>
          %swap3A_330 = arith.constant 5 : i32
          %swap3A_331 = arith.index_cast %swap3A_330 : i32 to index
          %swap3A_332 = arith.index_cast %scan3A_242 : i32 to index
          %swap3A_333 = arith.constant 80 : index
          %swap3A_334 = tpu.vector_load %arg6[%swap3A_331, %swap3A_332, %swap3A_333] {strides = array<i32>} : memref<6x128x128xf32, #tpu.memory_space<vmem>>, vector<1x1x16xf32>,
          %swap3A_335 = vector.shape_cast %swap3A_334 : vector<1x1x16xf32> to vector<16xf32>
          %swap3A_336 = vector.shape_cast %mul3A_329 : vector<16xf32> to vector<1x1x16xf32>
          tpu.vector_store %arg6[%swap3A_331, %swap3A_332, %swap3A_333], %swap3A_336 {strides = array<i32>} : memref<6x128x128xf32, #tpu.memory_space<vmem>>, vector<1x1x16xf32>,
          %get3A_337 = arith.constant 5 : i32
          %get3A_338 = arith.index_cast %get3A_337 : i32 to index
          %get3A_339 = arith.index_cast %scan3A_242 : i32 to index
          %get3A_340 = arith.constant 96 : index
          %get3A_341 = tpu.vector_load %arg6[%get3A_338, %get3A_339, %get3A_340] {strides = array<i32>} : memref<6x128x128xf32, #tpu.memory_space<vmem>>, vector<1x1x16xf32>,
          %get3A_342 = vector.shape_cast %get3A_341 : vector<1x1x16xf32> to vector<16xf32>
          %mul3A_343 = arith.constant 11.3137083 : f32
          %mul3A_344 = vector.broadcast %mul3A_343 : f32 to vector<16xf32>
          %mul3A_345 = arith.mulf %get3A_342, %mul3A_344 : vector<16xf32>
          %swap3A_346 = arith.constant 5 : i32
          %swap3A_347 = arith.index_cast %swap3A_346 : i32 to index
          %swap3A_348 = arith.index_cast %scan3A_242 : i32 to index
          %swap3A_349 = arith.constant 96 : index
          %swap3A_350 = tpu.vector_load %arg6[%swap3A_347, %swap3A_348, %swap3A_349] {strides = array<i32>} : memref<6x128x128xf32, #tpu.memory_space<vmem>>, vector<1x1x16xf32>,
          %swap3A_351 = vector.shape_cast %swap3A_350 : vector<1x1x16xf32> to vector<16xf32>
          %swap3A_352 = vector.shape_cast %mul3A_345 : vector<16xf32> to vector<1x1x16xf32>
          tpu.vector_store %arg6[%swap3A_347, %swap3A_348, %swap3A_349], %swap3A_352 {strides = array<i32>} : memref<6x128x128xf32, #tpu.memory_space<vmem>>, vector<1x1x16xf32>,
          %get3A_353 = arith.constant 5 : i32
          %get3A_354 = arith.index_cast %get3A_353 : i32 to index
          %get3A_355 = arith.index_cast %scan3A_242 : i32 to index
          %get3A_356 = arith.constant 112 : index
          %get3A_357 = tpu.vector_load %arg6[%get3A_354, %get3A_355, %get3A_356] {strides = array<i32>} : memref<6x128x128xf32, #tpu.memory_space<vmem>>, vector<1x1x16xf32>,
          %get3A_358 = vector.shape_cast %get3A_357 : vector<1x1x16xf32> to vector<16xf32>
          %mul3A_359 = arith.constant 11.3137083 : f32
          %mul3A_360 = vector.broadcast %mul3A_359 : f32 to vector<16xf32>
          %mul3A_361 = arith.mulf %get3A_358, %mul3A_360 : vector<16xf32>
          %swap3A_362 = arith.constant 5 : i32
          %swap3A_363 = arith.index_cast %swap3A_362 : i32 to index
          %swap3A_364 = arith.index_cast %scan3A_242 : i32 to index
          %swap3A_365 = arith.constant 112 : index
          %swap3A_366 = tpu.vector_load %arg6[%swap3A_363, %swap3A_364, %swap3A_365] {strides = array<i32>} : memref<6x128x128xf32, #tpu.memory_space<vmem>>, vector<1x1x16xf32>,
          %swap3A_367 = vector.shape_cast %swap3A_366 : vector<1x1x16xf32> to vector<16xf32>
          %swap3A_368 = vector.shape_cast %mul3A_361 : vector<16xf32> to vector<1x1x16xf32>
          tpu.vector_store %arg6[%swap3A_363, %swap3A_364, %swap3A_365], %swap3A_368 {strides = array<i32>} : memref<6x128x128xf32, #tpu.memory_space<vmem>>, vector<1x1x16xf32>,
        }
        %scan3A_226 = arith.constant 128 : i32
        %mul3A_227 = arith.constant 128 : i32
        %mul3A_228 = arith.muli %sub3A_140, %mul3A_227 : i32
        %add3A_229 = arith.addi %mul3A_2, %mul3A_228 : i32
        %dma_start3A = arith.constant 5 : i32
        %dma_start3A_230 = arith.constant 0 : i32
        %dma_start3A_231 = arith.constant 0 : i32
        %dma_start3A_232 = tpu.memref_slice %arg6[%dma_start3A, %dma_start3A_230, %dma_start3A_231] : memref<6x128x128xf32, #tpu.memory_space<vmem>> -> memref<1x128x128xf32, #tpu.memory_space<vmem>>
        %dma_start3A_233 = tpu.memref_squeeze %dma_start3A_232 : memref<1x128x128xf32, #tpu.memory_space<vmem>> -> memref<128x128xf32, #tpu.memory_space<vmem>>
        %dma_start3A_234 = arith.constant 0 : i32
        %dma_start3A_235 = tpu.memref_slice %arg4[%add3A_229, %dma_start3A_234] : memref<819200x128xf32, #tpu.memory_space<hbm>> -> memref<128x128xf32, #tpu.memory_space<hbm>>
        %dma_start3A_236 = arith.constant 0 : i32
        %dma_start3A_237 = tpu.memref_slice %arg4[%add3A_229, %dma_start3A_236] : memref<819200x128xf32, #tpu.memory_space<hbm>> -> memref<128x128xf32, #tpu.memory_space<hbm>>
        %dma_start3A_238 = arith.constant 0 : i32
        %dma_start3A_239 = arith.constant 0 : i32
        %dma_start3A_240 = tpu.memref_slice %arg6[%dma_start3A, %dma_start3A_238, %dma_start3A_239] : memref<6x128x128xf32, #tpu.memory_space<vmem>> -> memref<1x128x128xf32, #tpu.memory_space<vmem>>
        %dma_start3A_241 = tpu.memref_squeeze %dma_start3A_240 : memref<1x128x128xf32, #tpu.memory_space<vmem>> -> memref<128x128xf32, #tpu.memory_space<vmem>>
        tpu.enqueue_dma source(%dma_start3A_241 : memref<128x128xf32, #tpu.memory_space<vmem>>) target(%dma_start3A_237 : memref<128x128xf32, #tpu.memory_space<hbm>>) target_semaphore(%arg18 : memref<!tpu.dma_semaphore, #tpu.memory_space<semaphore_mem>>)
      } else {
      }
      %mul3A_149 = arith.constant 6 : i32
      %mul3A_150 = arith.muli %scan3A_97, %mul3A_149 : i32
      %add3A_151 = arith.constant 3 : i32
      %add3A_152 = arith.addi %mul3A_150, %add3A_151 : i32
      %lt3A_153 = arith.constant 200 : i32
      %lt3A_154 = arith.cmpi slt, %add3A_152, %lt3A_153 : i32
      %convert_element_type3A_155 = arith.extui %lt3A_154 : i1 to i32
      %cond3A_156 = arith.constant 0 : i32
      %cond3A_157 = arith.cmpi ne, %convert_element_type3A_155, %cond3A_156 : i32
      scf.if %cond3A_157 {
        %ge3A_206 = arith.constant 6 : i32
        %ge3A_207 = arith.cmpi sge, %add3A_152, %ge3A_206 : i32
        %convert_element_type3A_208 = arith.extui %ge3A_207 : i1 to i32
        %cond3A_209 = arith.constant 0 : i32
        %cond3A_210 = arith.cmpi ne, %convert_element_type3A_208, %cond3A_209 : i32
        scf.if %cond3A_210 {
          %dma_wait3A_221 = arith.constant 3 : i32
          %dma_wait3A_222 = arith.constant 0 : i32
          %dma_wait3A_223 = arith.constant 0 : i32
          %dma_wait3A_224 = tpu.memref_slice %arg6[%dma_wait3A_221, %dma_wait3A_222, %dma_wait3A_223] : memref<6x128x128xf32, #tpu.memory_space<vmem>> -> memref<1x128x128xf32, #tpu.memory_space<vmem>>
          %dma_wait3A_225 = tpu.memref_squeeze %dma_wait3A_224 : memref<1x128x128xf32, #tpu.memory_space<vmem>> -> memref<128x128xf32, #tpu.memory_space<vmem>>
          %dma_wait3A_226 = arith.constant 0 : i32
          %dma_wait3A_227 = arith.constant 0 : i32
          %dma_wait3A_228 = tpu.memref_slice %arg4[%dma_wait3A_226, %dma_wait3A_227] : memref<819200x128xf32, #tpu.memory_space<hbm>> -> memref<128x128xf32, #tpu.memory_space<hbm>>
          %dma_wait3A_229 = arith.constant 0 : i32
          %dma_wait3A_230 = arith.constant 0 : i32
          %dma_wait3A_231 = tpu.memref_slice %arg4[%dma_wait3A_229, %dma_wait3A_230] : memref<819200x128xf32, #tpu.memory_space<hbm>> -> memref<128x128xf32, #tpu.memory_space<hbm>>
          %dma_wait3A_232 = arith.constant 0 : i32
          %dma_wait3A_233 = arith.constant 0 : i32
          %dma_wait3A_234 = tpu.memref_slice %arg6[%dma_wait3A_221, %dma_wait3A_232, %dma_wait3A_233] : memref<6x128x128xf32, #tpu.memory_space<vmem>> -> memref<1x128x128xf32, #tpu.memory_space<vmem>>
          %dma_wait3A_235 = tpu.memref_squeeze %dma_wait3A_234 : memref<1x128x128xf32, #tpu.memory_space<vmem>> -> memref<128x128xf32, #tpu.memory_space<vmem>>
          tpu.wait_dma2 semaphore(%arg16 : memref<!tpu.dma_semaphore, #tpu.memory_space<semaphore_mem>>) src(%dma_wait3A_235 : memref<128x128xf32, #tpu.memory_space<vmem>>) dst(%dma_wait3A_231 : memref<128x128xf32, #tpu.memory_space<hbm>>)
        } else {
        }
        %dma_start3A = arith.constant 3 : i32
        %dma_start3A_211 = arith.constant 0 : i32
        %dma_start3A_212 = arith.constant 0 : i32
        %dma_start3A_213 = tpu.memref_slice %arg6[%dma_start3A, %dma_start3A_211, %dma_start3A_212] : memref<6x128x128xf32, #tpu.memory_space<vmem>> -> memref<1x128x128xf32, #tpu.memory_space<vmem>>
        %dma_start3A_214 = tpu.memref_squeeze %dma_start3A_213 : memref<1x128x128xf32, #tpu.memory_space<vmem>> -> memref<128x128xf32, #tpu.memory_space<vmem>>
        %dma_start3A_215 = arith.constant 0 : i32
        %dma_start3A_216 = tpu.memref_slice %arg5[%add3A_152, %dma_start3A_215] : memref<200x128xi32, #tpu.memory_space<vmem>> -> memref<1x128xi32, #tpu.memory_space<vmem>>
        %dma_start3A_217 = tpu.memref_squeeze %dma_start3A_216 : memref<1x128xi32, #tpu.memory_space<vmem>> -> memref<128xi32, #tpu.memory_space<vmem>>
        %dma_start3A_218 = arith.constant 0 : i32
        %dma_start3A_219 = arith.constant 0 : i32
        %dma_start3A_220 = tpu.memref_slice %arg3[%dma_start3A_218, %dma_start3A_219] : memref<100000x128xf32, #tpu.memory_space<hbm>> -> memref<100000x128xf32, #tpu.memory_space<hbm>>
        tpu.enqueue_indirect_dma source(%dma_start3A_220 : memref<100000x128xf32, #tpu.memory_space<hbm>>) target(%dma_start3A_214 : memref<128x128xf32, #tpu.memory_space<vmem>>) offsets(%dma_start3A_217 : memref<128xi32, #tpu.memory_space<vmem>>) semaphore(%arg10 : memref<!tpu.dma_semaphore, #tpu.memory_space<semaphore_mem>>)
      } else {
      }
      %sub3A_158 = arith.constant 3 : i32
      %sub3A_159 = arith.subi %add3A_152, %sub3A_158 : i32
      %ge3A_160 = arith.constant 0 : i32
      %ge3A_161 = arith.cmpi sge, %sub3A_159, %ge3A_160 : i32
      %lt3A_162 = arith.constant 200 : i32
      %lt3A_163 = arith.cmpi slt, %sub3A_159, %lt3A_162 : i32
      %and3A_164 = arith.andi %ge3A_161, %lt3A_163 : i1
      %convert_element_type3A_165 = arith.extui %and3A_164 : i1 to i32
      %cond3A_166 = arith.constant 0 : i32
      %cond3A_167 = arith.cmpi ne, %convert_element_type3A_165, %cond3A_166 : i32
      scf.if %cond3A_167 {
        %dma_wait3A_206 = arith.constant 0 : i32
        %dma_wait3A_207 = arith.constant 0 : i32
        %dma_wait3A_208 = arith.constant 0 : i32
        %dma_wait3A_209 = tpu.memref_slice %arg6[%dma_wait3A_206, %dma_wait3A_207, %dma_wait3A_208] : memref<6x128x128xf32, #tpu.memory_space<vmem>> -> memref<1x128x128xf32, #tpu.memory_space<vmem>>
        %dma_wait3A_210 = tpu.memref_squeeze %dma_wait3A_209 : memref<1x128x128xf32, #tpu.memory_space<vmem>> -> memref<128x128xf32, #tpu.memory_space<vmem>>
        %dma_wait3A_211 = arith.constant 0 : i32
        %dma_wait3A_212 = arith.constant 0 : i32
        %dma_wait3A_213 = tpu.memref_slice %arg3[%dma_wait3A_211, %dma_wait3A_212] : memref<100000x128xf32, #tpu.memory_space<hbm>> -> memref<128x128xf32, #tpu.memory_space<hbm>>
        %dma_wait3A_214 = arith.constant 0 : i32
        %dma_wait3A_215 = arith.constant 0 : i32
        %dma_wait3A_216 = tpu.memref_slice %arg6[%dma_wait3A_206, %dma_wait3A_214, %dma_wait3A_215] : memref<6x128x128xf32, #tpu.memory_space<vmem>> -> memref<1x128x128xf32, #tpu.memory_space<vmem>>
        %dma_wait3A_217 = tpu.memref_squeeze %dma_wait3A_216 : memref<1x128x128xf32, #tpu.memory_space<vmem>> -> memref<128x128xf32, #tpu.memory_space<vmem>>
        %dma_wait3A_218 = arith.constant 0 : i32
        %dma_wait3A_219 = arith.constant 0 : i32
        %dma_wait3A_220 = tpu.memref_slice %arg3[%dma_wait3A_218, %dma_wait3A_219] : memref<100000x128xf32, #tpu.memory_space<hbm>> -> memref<128x128xf32, #tpu.memory_space<hbm>>
        tpu.wait_dma2 semaphore(%arg7 : memref<!tpu.dma_semaphore, #tpu.memory_space<semaphore_mem>>) src(%dma_wait3A_220 : memref<128x128xf32, #tpu.memory_space<hbm>>) dst(%dma_wait3A_217 : memref<128x128xf32, #tpu.memory_space<vmem>>)
        %scan3A_221 = arith.constant 0 : i32
        %scan3A_222 = arith.constant 0 : i32
        %scan3A_223 = arith.constant 128 : i32
        %scan3A_224 = arith.addi %scan3A_222, %scan3A_223 : i32
        %scan3A_225 = arith.constant 1 : i32
        scf.for %scan3A_242 = %scan3A_222 to %scan3A_224 step %scan3A_225  : i32 {
          %get3A = arith.constant 0 : i32
          %get3A_243 = arith.index_cast %get3A : i32 to index
          %get3A_244 = arith.index_cast %scan3A_242 : i32 to index
          %get3A_245 = arith.constant 0 : index
          %get3A_246 = tpu.vector_load %arg6[%get3A_243, %get3A_244, %get3A_245] {strides = array<i32>} : memref<6x128x128xf32, #tpu.memory_space<vmem>>, vector<1x1x16xf32>,
          %get3A_247 = vector.shape_cast %get3A_246 : vector<1x1x16xf32> to vector<16xf32>
          %mul3A_248 = arith.constant 11.3137083 : f32
          %mul3A_249 = vector.broadcast %mul3A_248 : f32 to vector<16xf32>
          %mul3A_250 = arith.mulf %get3A_247, %mul3A_249 : vector<16xf32>
          %swap3A = arith.constant 0 : i32
          %swap3A_251 = arith.index_cast %swap3A : i32 to index
          %swap3A_252 = arith.index_cast %scan3A_242 : i32 to index
          %swap3A_253 = arith.constant 0 : index
          %swap3A_254 = tpu.vector_load %arg6[%swap3A_251, %swap3A_252, %swap3A_253] {strides = array<i32>} : memref<6x128x128xf32, #tpu.memory_space<vmem>>, vector<1x1x16xf32>,
          %swap3A_255 = vector.shape_cast %swap3A_254 : vector<1x1x16xf32> to vector<16xf32>
          %swap3A_256 = vector.shape_cast %mul3A_250 : vector<16xf32> to vector<1x1x16xf32>
          tpu.vector_store %arg6[%swap3A_251, %swap3A_252, %swap3A_253], %swap3A_256 {strides = array<i32>} : memref<6x128x128xf32, #tpu.memory_space<vmem>>, vector<1x1x16xf32>,
          %get3A_257 = arith.constant 0 : i32
          %get3A_258 = arith.index_cast %get3A_257 : i32 to index
          %get3A_259 = arith.index_cast %scan3A_242 : i32 to index
          %get3A_260 = arith.constant 16 : index
          %get3A_261 = tpu.vector_load %arg6[%get3A_258, %get3A_259, %get3A_260] {strides = array<i32>} : memref<6x128x128xf32, #tpu.memory_space<vmem>>, vector<1x1x16xf32>,
          %get3A_262 = vector.shape_cast %get3A_261 : vector<1x1x16xf32> to vector<16xf32>
          %mul3A_263 = arith.constant 11.3137083 : f32
          %mul3A_264 = vector.broadcast %mul3A_263 : f32 to vector<16xf32>
          %mul3A_265 = arith.mulf %get3A_262, %mul3A_264 : vector<16xf32>
          %swap3A_266 = arith.constant 0 : i32
          %swap3A_267 = arith.index_cast %swap3A_266 : i32 to index
          %swap3A_268 = arith.index_cast %scan3A_242 : i32 to index
          %swap3A_269 = arith.constant 16 : index
          %swap3A_270 = tpu.vector_load %arg6[%swap3A_267, %swap3A_268, %swap3A_269] {strides = array<i32>} : memref<6x128x128xf32, #tpu.memory_space<vmem>>, vector<1x1x16xf32>,
          %swap3A_271 = vector.shape_cast %swap3A_270 : vector<1x1x16xf32> to vector<16xf32>
          %swap3A_272 = vector.shape_cast %mul3A_265 : vector<16xf32> to vector<1x1x16xf32>
          tpu.vector_store %arg6[%swap3A_267, %swap3A_268, %swap3A_269], %swap3A_272 {strides = array<i32>} : memref<6x128x128xf32, #tpu.memory_space<vmem>>, vector<1x1x16xf32>,
          %get3A_273 = arith.constant 0 : i32
          %get3A_274 = arith.index_cast %get3A_273 : i32 to index
          %get3A_275 = arith.index_cast %scan3A_242 : i32 to index
          %get3A_276 = arith.constant 32 : index
          %get3A_277 = tpu.vector_load %arg6[%get3A_274, %get3A_275, %get3A_276] {strides = array<i32>} : memref<6x128x128xf32, #tpu.memory_space<vmem>>, vector<1x1x16xf32>,
          %get3A_278 = vector.shape_cast %get3A_277 : vector<1x1x16xf32> to vector<16xf32>
          %mul3A_279 = arith.constant 11.3137083 : f32
          %mul3A_280 = vector.broadcast %mul3A_279 : f32 to vector<16xf32>
          %mul3A_281 = arith.mulf %get3A_278, %mul3A_280 : vector<16xf32>
          %swap3A_282 = arith.constant 0 : i32
          %swap3A_283 = arith.index_cast %swap3A_282 : i32 to index
          %swap3A_284 = arith.index_cast %scan3A_242 : i32 to index
          %swap3A_285 = arith.constant 32 : index
          %swap3A_286 = tpu.vector_load %arg6[%swap3A_283, %swap3A_284, %swap3A_285] {strides = array<i32>} : memref<6x128x128xf32, #tpu.memory_space<vmem>>, vector<1x1x16xf32>,
          %swap3A_287 = vector.shape_cast %swap3A_286 : vector<1x1x16xf32> to vector<16xf32>
          %swap3A_288 = vector.shape_cast %mul3A_281 : vector<16xf32> to vector<1x1x16xf32>
          tpu.vector_store %arg6[%swap3A_283, %swap3A_284, %swap3A_285], %swap3A_288 {strides = array<i32>} : memref<6x128x128xf32, #tpu.memory_space<vmem>>, vector<1x1x16xf32>,
          %get3A_289 = arith.constant 0 : i32
          %get3A_290 = arith.index_cast %get3A_289 : i32 to index
          %get3A_291 = arith.index_cast %scan3A_242 : i32 to index
          %get3A_292 = arith.constant 48 : index
          %get3A_293 = tpu.vector_load %arg6[%get3A_290, %get3A_291, %get3A_292] {strides = array<i32>} : memref<6x128x128xf32, #tpu.memory_space<vmem>>, vector<1x1x16xf32>,
          %get3A_294 = vector.shape_cast %get3A_293 : vector<1x1x16xf32> to vector<16xf32>
          %mul3A_295 = arith.constant 11.3137083 : f32
          %mul3A_296 = vector.broadcast %mul3A_295 : f32 to vector<16xf32>
          %mul3A_297 = arith.mulf %get3A_294, %mul3A_296 : vector<16xf32>
          %swap3A_298 = arith.constant 0 : i32
          %swap3A_299 = arith.index_cast %swap3A_298 : i32 to index
          %swap3A_300 = arith.index_cast %scan3A_242 : i32 to index
          %swap3A_301 = arith.constant 48 : index
          %swap3A_302 = tpu.vector_load %arg6[%swap3A_299, %swap3A_300, %swap3A_301] {strides = array<i32>} : memref<6x128x128xf32, #tpu.memory_space<vmem>>, vector<1x1x16xf32>,
          %swap3A_303 = vector.shape_cast %swap3A_302 : vector<1x1x16xf32> to vector<16xf32>
          %swap3A_304 = vector.shape_cast %mul3A_297 : vector<16xf32> to vector<1x1x16xf32>
          tpu.vector_store %arg6[%swap3A_299, %swap3A_300, %swap3A_301], %swap3A_304 {strides = array<i32>} : memref<6x128x128xf32, #tpu.memory_space<vmem>>, vector<1x1x16xf32>,
          %get3A_305 = arith.constant 0 : i32
          %get3A_306 = arith.index_cast %get3A_305 : i32 to index
          %get3A_307 = arith.index_cast %scan3A_242 : i32 to index
          %get3A_308 = arith.constant 64 : index
          %get3A_309 = tpu.vector_load %arg6[%get3A_306, %get3A_307, %get3A_308] {strides = array<i32>} : memref<6x128x128xf32, #tpu.memory_space<vmem>>, vector<1x1x16xf32>,
          %get3A_310 = vector.shape_cast %get3A_309 : vector<1x1x16xf32> to vector<16xf32>
          %mul3A_311 = arith.constant 11.3137083 : f32
          %mul3A_312 = vector.broadcast %mul3A_311 : f32 to vector<16xf32>
          %mul3A_313 = arith.mulf %get3A_310, %mul3A_312 : vector<16xf32>
          %swap3A_314 = arith.constant 0 : i32
          %swap3A_315 = arith.index_cast %swap3A_314 : i32 to index
          %swap3A_316 = arith.index_cast %scan3A_242 : i32 to index
          %swap3A_317 = arith.constant 64 : index
          %swap3A_318 = tpu.vector_load %arg6[%swap3A_315, %swap3A_316, %swap3A_317] {strides = array<i32>} : memref<6x128x128xf32, #tpu.memory_space<vmem>>, vector<1x1x16xf32>,
          %swap3A_319 = vector.shape_cast %swap3A_318 : vector<1x1x16xf32> to vector<16xf32>
          %swap3A_320 = vector.shape_cast %mul3A_313 : vector<16xf32> to vector<1x1x16xf32>
          tpu.vector_store %arg6[%swap3A_315, %swap3A_316, %swap3A_317], %swap3A_320 {strides = array<i32>} : memref<6x128x128xf32, #tpu.memory_space<vmem>>, vector<1x1x16xf32>,
          %get3A_321 = arith.constant 0 : i32
          %get3A_322 = arith.index_cast %get3A_321 : i32 to index
          %get3A_323 = arith.index_cast %scan3A_242 : i32 to index
          %get3A_324 = arith.constant 80 : index
          %get3A_325 = tpu.vector_load %arg6[%get3A_322, %get3A_323, %get3A_324] {strides = array<i32>} : memref<6x128x128xf32, #tpu.memory_space<vmem>>, vector<1x1x16xf32>,
          %get3A_326 = vector.shape_cast %get3A_325 : vector<1x1x16xf32> to vector<16xf32>
          %mul3A_327 = arith.constant 11.3137083 : f32
          %mul3A_328 = vector.broadcast %mul3A_327 : f32 to vector<16xf32>
          %mul3A_329 = arith.mulf %get3A_326, %mul3A_328 : vector<16xf32>
          %swap3A_330 = arith.constant 0 : i32
          %swap3A_331 = arith.index_cast %swap3A_330 : i32 to index
          %swap3A_332 = arith.index_cast %scan3A_242 : i32 to index
          %swap3A_333 = arith.constant 80 : index
          %swap3A_334 = tpu.vector_load %arg6[%swap3A_331, %swap3A_332, %swap3A_333] {strides = array<i32>} : memref<6x128x128xf32, #tpu.memory_space<vmem>>, vector<1x1x16xf32>,
          %swap3A_335 = vector.shape_cast %swap3A_334 : vector<1x1x16xf32> to vector<16xf32>
          %swap3A_336 = vector.shape_cast %mul3A_329 : vector<16xf32> to vector<1x1x16xf32>
          tpu.vector_store %arg6[%swap3A_331, %swap3A_332, %swap3A_333], %swap3A_336 {strides = array<i32>} : memref<6x128x128xf32, #tpu.memory_space<vmem>>, vector<1x1x16xf32>,
          %get3A_337 = arith.constant 0 : i32
          %get3A_338 = arith.index_cast %get3A_337 : i32 to index
          %get3A_339 = arith.index_cast %scan3A_242 : i32 to index
          %get3A_340 = arith.constant 96 : index
          %get3A_341 = tpu.vector_load %arg6[%get3A_338, %get3A_339, %get3A_340] {strides = array<i32>} : memref<6x128x128xf32, #tpu.memory_space<vmem>>, vector<1x1x16xf32>,
          %get3A_342 = vector.shape_cast %get3A_341 : vector<1x1x16xf32> to vector<16xf32>
          %mul3A_343 = arith.constant 11.3137083 : f32
          %mul3A_344 = vector.broadcast %mul3A_343 : f32 to vector<16xf32>
          %mul3A_345 = arith.mulf %get3A_342, %mul3A_344 : vector<16xf32>
          %swap3A_346 = arith.constant 0 : i32
          %swap3A_347 = arith.index_cast %swap3A_346 : i32 to index
          %swap3A_348 = arith.index_cast %scan3A_242 : i32 to index
          %swap3A_349 = arith.constant 96 : index
          %swap3A_350 = tpu.vector_load %arg6[%swap3A_347, %swap3A_348, %swap3A_349] {strides = array<i32>} : memref<6x128x128xf32, #tpu.memory_space<vmem>>, vector<1x1x16xf32>,
          %swap3A_351 = vector.shape_cast %swap3A_350 : vector<1x1x16xf32> to vector<16xf32>
          %swap3A_352 = vector.shape_cast %mul3A_345 : vector<16xf32> to vector<1x1x16xf32>
          tpu.vector_store %arg6[%swap3A_347, %swap3A_348, %swap3A_349], %swap3A_352 {strides = array<i32>} : memref<6x128x128xf32, #tpu.memory_space<vmem>>, vector<1x1x16xf32>,
          %get3A_353 = arith.constant 0 : i32
          %get3A_354 = arith.index_cast %get3A_353 : i32 to index
          %get3A_355 = arith.index_cast %scan3A_242 : i32 to index
          %get3A_356 = arith.constant 112 : index
          %get3A_357 = tpu.vector_load %arg6[%get3A_354, %get3A_355, %get3A_356] {strides = array<i32>} : memref<6x128x128xf32, #tpu.memory_space<vmem>>, vector<1x1x16xf32>,
          %get3A_358 = vector.shape_cast %get3A_357 : vector<1x1x16xf32> to vector<16xf32>
          %mul3A_359 = arith.constant 11.3137083 : f32
          %mul3A_360 = vector.broadcast %mul3A_359 : f32 to vector<16xf32>
          %mul3A_361 = arith.mulf %get3A_358, %mul3A_360 : vector<16xf32>
          %swap3A_362 = arith.constant 0 : i32
          %swap3A_363 = arith.index_cast %swap3A_362 : i32 to index
          %swap3A_364 = arith.index_cast %scan3A_242 : i32 to index
          %swap3A_365 = arith.constant 112 : index
          %swap3A_366 = tpu.vector_load %arg6[%swap3A_363, %swap3A_364, %swap3A_365] {strides = array<i32>} : memref<6x128x128xf32, #tpu.memory_space<vmem>>, vector<1x1x16xf32>,
          %swap3A_367 = vector.shape_cast %swap3A_366 : vector<1x1x16xf32> to vector<16xf32>
          %swap3A_368 = vector.shape_cast %mul3A_361 : vector<16xf32> to vector<1x1x16xf32>
          tpu.vector_store %arg6[%swap3A_363, %swap3A_364, %swap3A_365], %swap3A_368 {strides = array<i32>} : memref<6x128x128xf32, #tpu.memory_space<vmem>>, vector<1x1x16xf32>,
        }
        %scan3A_226 = arith.constant 128 : i32
        %mul3A_227 = arith.constant 128 : i32
        %mul3A_228 = arith.muli %sub3A_159, %mul3A_227 : i32
        %add3A_229 = arith.addi %mul3A_2, %mul3A_228 : i32
        %dma_start3A = arith.constant 0 : i32
        %dma_start3A_230 = arith.constant 0 : i32
        %dma_start3A_231 = arith.constant 0 : i32
        %dma_start3A_232 = tpu.memref_slice %arg6[%dma_start3A, %dma_start3A_230, %dma_start3A_231] : memref<6x128x128xf32, #tpu.memory_space<vmem>> -> memref<1x128x128xf32, #tpu.memory_space<vmem>>
        %dma_start3A_233 = tpu.memref_squeeze %dma_start3A_232 : memref<1x128x128xf32, #tpu.memory_space<vmem>> -> memref<128x128xf32, #tpu.memory_space<vmem>>
        %dma_start3A_234 = arith.constant 0 : i32
        %dma_start3A_235 = tpu.memref_slice %arg4[%add3A_229, %dma_start3A_234] : memref<819200x128xf32, #tpu.memory_space<hbm>> -> memref<128x128xf32, #tpu.memory_space<hbm>>
        %dma_start3A_236 = arith.constant 0 : i32
        %dma_start3A_237 = tpu.memref_slice %arg4[%add3A_229, %dma_start3A_236] : memref<819200x128xf32, #tpu.memory_space<hbm>> -> memref<128x128xf32, #tpu.memory_space<hbm>>
        %dma_start3A_238 = arith.constant 0 : i32
        %dma_start3A_239 = arith.constant 0 : i32
        %dma_start3A_240 = tpu.memref_slice %arg6[%dma_start3A, %dma_start3A_238, %dma_start3A_239] : memref<6x128x128xf32, #tpu.memory_space<vmem>> -> memref<1x128x128xf32, #tpu.memory_space<vmem>>
        %dma_start3A_241 = tpu.memref_squeeze %dma_start3A_240 : memref<1x128x128xf32, #tpu.memory_space<vmem>> -> memref<128x128xf32, #tpu.memory_space<vmem>>
        tpu.enqueue_dma source(%dma_start3A_241 : memref<128x128xf32, #tpu.memory_space<vmem>>) target(%dma_start3A_237 : memref<128x128xf32, #tpu.memory_space<hbm>>) target_semaphore(%arg13 : memref<!tpu.dma_semaphore, #tpu.memory_space<semaphore_mem>>)
      } else {
      }
      %mul3A_168 = arith.constant 6 : i32
      %mul3A_169 = arith.muli %scan3A_97, %mul3A_168 : i32
      %add3A_170 = arith.constant 4 : i32
      %add3A_171 = arith.addi %mul3A_169, %add3A_170 : i32
      %lt3A_172 = arith.constant 200 : i32
      %lt3A_173 = arith.cmpi slt, %add3A_171, %lt3A_172 : i32
      %convert_element_type3A_174 = arith.extui %lt3A_173 : i1 to i32
      %cond3A_175 = arith.constant 0 : i32
      %cond3A_176 = arith.cmpi ne, %convert_element_type3A_174, %cond3A_175 : i32
      scf.if %cond3A_176 {
        %ge3A_206 = arith.constant 6 : i32
        %ge3A_207 = arith.cmpi sge, %add3A_171, %ge3A_206 : i32
        %convert_element_type3A_208 = arith.extui %ge3A_207 : i1 to i32
        %cond3A_209 = arith.constant 0 : i32
        %cond3A_210 = arith.cmpi ne, %convert_element_type3A_208, %cond3A_209 : i32
        scf.if %cond3A_210 {
          %dma_wait3A_221 = arith.constant 4 : i32
          %dma_wait3A_222 = arith.constant 0 : i32
          %dma_wait3A_223 = arith.constant 0 : i32
          %dma_wait3A_224 = tpu.memref_slice %arg6[%dma_wait3A_221, %dma_wait3A_222, %dma_wait3A_223] : memref<6x128x128xf32, #tpu.memory_space<vmem>> -> memref<1x128x128xf32, #tpu.memory_space<vmem>>
          %dma_wait3A_225 = tpu.memref_squeeze %dma_wait3A_224 : memref<1x128x128xf32, #tpu.memory_space<vmem>> -> memref<128x128xf32, #tpu.memory_space<vmem>>
          %dma_wait3A_226 = arith.constant 0 : i32
          %dma_wait3A_227 = arith.constant 0 : i32
          %dma_wait3A_228 = tpu.memref_slice %arg4[%dma_wait3A_226, %dma_wait3A_227] : memref<819200x128xf32, #tpu.memory_space<hbm>> -> memref<128x128xf32, #tpu.memory_space<hbm>>
          %dma_wait3A_229 = arith.constant 0 : i32
          %dma_wait3A_230 = arith.constant 0 : i32
          %dma_wait3A_231 = tpu.memref_slice %arg4[%dma_wait3A_229, %dma_wait3A_230] : memref<819200x128xf32, #tpu.memory_space<hbm>> -> memref<128x128xf32, #tpu.memory_space<hbm>>
          %dma_wait3A_232 = arith.constant 0 : i32
          %dma_wait3A_233 = arith.constant 0 : i32
          %dma_wait3A_234 = tpu.memref_slice %arg6[%dma_wait3A_221, %dma_wait3A_232, %dma_wait3A_233] : memref<6x128x128xf32, #tpu.memory_space<vmem>> -> memref<1x128x128xf32, #tpu.memory_space<vmem>>
          %dma_wait3A_235 = tpu.memref_squeeze %dma_wait3A_234 : memref<1x128x128xf32, #tpu.memory_space<vmem>> -> memref<128x128xf32, #tpu.memory_space<vmem>>
          tpu.wait_dma2 semaphore(%arg17 : memref<!tpu.dma_semaphore, #tpu.memory_space<semaphore_mem>>) src(%dma_wait3A_235 : memref<128x128xf32, #tpu.memory_space<vmem>>) dst(%dma_wait3A_231 : memref<128x128xf32, #tpu.memory_space<hbm>>)
        } else {
        }
        %dma_start3A = arith.constant 4 : i32
        %dma_start3A_211 = arith.constant 0 : i32
        %dma_start3A_212 = arith.constant 0 : i32
        %dma_start3A_213 = tpu.memref_slice %arg6[%dma_start3A, %dma_start3A_211, %dma_start3A_212] : memref<6x128x128xf32, #tpu.memory_space<vmem>> -> memref<1x128x128xf32, #tpu.memory_space<vmem>>
        %dma_start3A_214 = tpu.memref_squeeze %dma_start3A_213 : memref<1x128x128xf32, #tpu.memory_space<vmem>> -> memref<128x128xf32, #tpu.memory_space<vmem>>
        %dma_start3A_215 = arith.constant 0 : i32
        %dma_start3A_216 = tpu.memref_slice %arg5[%add3A_171, %dma_start3A_215] : memref<200x128xi32, #tpu.memory_space<vmem>> -> memref<1x128xi32, #tpu.memory_space<vmem>>
        %dma_start3A_217 = tpu.memref_squeeze %dma_start3A_216 : memref<1x128xi32, #tpu.memory_space<vmem>> -> memref<128xi32, #tpu.memory_space<vmem>>
        %dma_start3A_218 = arith.constant 0 : i32
        %dma_start3A_219 = arith.constant 0 : i32
        %dma_start3A_220 = tpu.memref_slice %arg3[%dma_start3A_218, %dma_start3A_219] : memref<100000x128xf32, #tpu.memory_space<hbm>> -> memref<100000x128xf32, #tpu.memory_space<hbm>>
        tpu.enqueue_indirect_dma source(%dma_start3A_220 : memref<100000x128xf32, #tpu.memory_space<hbm>>) target(%dma_start3A_214 : memref<128x128xf32, #tpu.memory_space<vmem>>) offsets(%dma_start3A_217 : memref<128xi32, #tpu.memory_space<vmem>>) semaphore(%arg11 : memref<!tpu.dma_semaphore, #tpu.memory_space<semaphore_mem>>)
      } else {
      }
      %sub3A_177 = arith.constant 3 : i32
      %sub3A_178 = arith.subi %add3A_171, %sub3A_177 : i32
      %ge3A_179 = arith.constant 0 : i32
      %ge3A_180 = arith.cmpi sge, %sub3A_178, %ge3A_179 : i32
      %lt3A_181 = arith.constant 200 : i32
      %lt3A_182 = arith.cmpi slt, %sub3A_178, %lt3A_181 : i32
      %and3A_183 = arith.andi %ge3A_180, %lt3A_182 : i1
      %convert_element_type3A_184 = arith.extui %and3A_183 : i1 to i32
      %cond3A_185 = arith.constant 0 : i32
      %cond3A_186 = arith.cmpi ne, %convert_element_type3A_184, %cond3A_185 : i32
      scf.if %cond3A_186 {
        %dma_wait3A_206 = arith.constant 1 : i32
        %dma_wait3A_207 = arith.constant 0 : i32
        %dma_wait3A_208 = arith.constant 0 : i32
        %dma_wait3A_209 = tpu.memref_slice %arg6[%dma_wait3A_206, %dma_wait3A_207, %dma_wait3A_208] : memref<6x128x128xf32, #tpu.memory_space<vmem>> -> memref<1x128x128xf32, #tpu.memory_space<vmem>>
        %dma_wait3A_210 = tpu.memref_squeeze %dma_wait3A_209 : memref<1x128x128xf32, #tpu.memory_space<vmem>> -> memref<128x128xf32, #tpu.memory_space<vmem>>
        %dma_wait3A_211 = arith.constant 0 : i32
        %dma_wait3A_212 = arith.constant 0 : i32
        %dma_wait3A_213 = tpu.memref_slice %arg3[%dma_wait3A_211, %dma_wait3A_212] : memref<100000x128xf32, #tpu.memory_space<hbm>> -> memref<128x128xf32, #tpu.memory_space<hbm>>
        %dma_wait3A_214 = arith.constant 0 : i32
        %dma_wait3A_215 = arith.constant 0 : i32
        %dma_wait3A_216 = tpu.memref_slice %arg6[%dma_wait3A_206, %dma_wait3A_214, %dma_wait3A_215] : memref<6x128x128xf32, #tpu.memory_space<vmem>> -> memref<1x128x128xf32, #tpu.memory_space<vmem>>
        %dma_wait3A_217 = tpu.memref_squeeze %dma_wait3A_216 : memref<1x128x128xf32, #tpu.memory_space<vmem>> -> memref<128x128xf32, #tpu.memory_space<vmem>>
        %dma_wait3A_218 = arith.constant 0 : i32
        %dma_wait3A_219 = arith.constant 0 : i32
        %dma_wait3A_220 = tpu.memref_slice %arg3[%dma_wait3A_218, %dma_wait3A_219] : memref<100000x128xf32, #tpu.memory_space<hbm>> -> memref<128x128xf32, #tpu.memory_space<hbm>>
        tpu.wait_dma2 semaphore(%arg8 : memref<!tpu.dma_semaphore, #tpu.memory_space<semaphore_mem>>) src(%dma_wait3A_220 : memref<128x128xf32, #tpu.memory_space<hbm>>) dst(%dma_wait3A_217 : memref<128x128xf32, #tpu.memory_space<vmem>>)
        %scan3A_221 = arith.constant 0 : i32
        %scan3A_222 = arith.constant 0 : i32
        %scan3A_223 = arith.constant 128 : i32
        %scan3A_224 = arith.addi %scan3A_222, %scan3A_223 : i32
        %scan3A_225 = arith.constant 1 : i32
        scf.for %scan3A_242 = %scan3A_222 to %scan3A_224 step %scan3A_225  : i32 {
          %get3A = arith.constant 1 : i32
          %get3A_243 = arith.index_cast %get3A : i32 to index
          %get3A_244 = arith.index_cast %scan3A_242 : i32 to index
          %get3A_245 = arith.constant 0 : index
          %get3A_246 = tpu.vector_load %arg6[%get3A_243, %get3A_244, %get3A_245] {strides = array<i32>} : memref<6x128x128xf32, #tpu.memory_space<vmem>>, vector<1x1x16xf32>,
          %get3A_247 = vector.shape_cast %get3A_246 : vector<1x1x16xf32> to vector<16xf32>
          %mul3A_248 = arith.constant 11.3137083 : f32
          %mul3A_249 = vector.broadcast %mul3A_248 : f32 to vector<16xf32>
          %mul3A_250 = arith.mulf %get3A_247, %mul3A_249 : vector<16xf32>
          %swap3A = arith.constant 1 : i32
          %swap3A_251 = arith.index_cast %swap3A : i32 to index
          %swap3A_252 = arith.index_cast %scan3A_242 : i32 to index
          %swap3A_253 = arith.constant 0 : index
          %swap3A_254 = tpu.vector_load %arg6[%swap3A_251, %swap3A_252, %swap3A_253] {strides = array<i32>} : memref<6x128x128xf32, #tpu.memory_space<vmem>>, vector<1x1x16xf32>,
          %swap3A_255 = vector.shape_cast %swap3A_254 : vector<1x1x16xf32> to vector<16xf32>
          %swap3A_256 = vector.shape_cast %mul3A_250 : vector<16xf32> to vector<1x1x16xf32>
          tpu.vector_store %arg6[%swap3A_251, %swap3A_252, %swap3A_253], %swap3A_256 {strides = array<i32>} : memref<6x128x128xf32, #tpu.memory_space<vmem>>, vector<1x1x16xf32>,
          %get3A_257 = arith.constant 1 : i32
          %get3A_258 = arith.index_cast %get3A_257 : i32 to index
          %get3A_259 = arith.index_cast %scan3A_242 : i32 to index
          %get3A_260 = arith.constant 16 : index
          %get3A_261 = tpu.vector_load %arg6[%get3A_258, %get3A_259, %get3A_260] {strides = array<i32>} : memref<6x128x128xf32, #tpu.memory_space<vmem>>, vector<1x1x16xf32>,
          %get3A_262 = vector.shape_cast %get3A_261 : vector<1x1x16xf32> to vector<16xf32>
          %mul3A_263 = arith.constant 11.3137083 : f32
          %mul3A_264 = vector.broadcast %mul3A_263 : f32 to vector<16xf32>
          %mul3A_265 = arith.mulf %get3A_262, %mul3A_264 : vector<16xf32>
          %swap3A_266 = arith.constant 1 : i32
          %swap3A_267 = arith.index_cast %swap3A_266 : i32 to index
          %swap3A_268 = arith.index_cast %scan3A_242 : i32 to index
          %swap3A_269 = arith.constant 16 : index
          %swap3A_270 = tpu.vector_load %arg6[%swap3A_267, %swap3A_268, %swap3A_269] {strides = array<i32>} : memref<6x128x128xf32, #tpu.memory_space<vmem>>, vector<1x1x16xf32>,
          %swap3A_271 = vector.shape_cast %swap3A_270 : vector<1x1x16xf32> to vector<16xf32>
          %swap3A_272 = vector.shape_cast %mul3A_265 : vector<16xf32> to vector<1x1x16xf32>
          tpu.vector_store %arg6[%swap3A_267, %swap3A_268, %swap3A_269], %swap3A_272 {strides = array<i32>} : memref<6x128x128xf32, #tpu.memory_space<vmem>>, vector<1x1x16xf32>,
          %get3A_273 = arith.constant 1 : i32
          %get3A_274 = arith.index_cast %get3A_273 : i32 to index
          %get3A_275 = arith.index_cast %scan3A_242 : i32 to index
          %get3A_276 = arith.constant 32 : index
          %get3A_277 = tpu.vector_load %arg6[%get3A_274, %get3A_275, %get3A_276] {strides = array<i32>} : memref<6x128x128xf32, #tpu.memory_space<vmem>>, vector<1x1x16xf32>,
          %get3A_278 = vector.shape_cast %get3A_277 : vector<1x1x16xf32> to vector<16xf32>
          %mul3A_279 = arith.constant 11.3137083 : f32
          %mul3A_280 = vector.broadcast %mul3A_279 : f32 to vector<16xf32>
          %mul3A_281 = arith.mulf %get3A_278, %mul3A_280 : vector<16xf32>
          %swap3A_282 = arith.constant 1 : i32
          %swap3A_283 = arith.index_cast %swap3A_282 : i32 to index
          %swap3A_284 = arith.index_cast %scan3A_242 : i32 to index
          %swap3A_285 = arith.constant 32 : index
          %swap3A_286 = tpu.vector_load %arg6[%swap3A_283, %swap3A_284, %swap3A_285] {strides = array<i32>} : memref<6x128x128xf32, #tpu.memory_space<vmem>>, vector<1x1x16xf32>,
          %swap3A_287 = vector.shape_cast %swap3A_286 : vector<1x1x16xf32> to vector<16xf32>
          %swap3A_288 = vector.shape_cast %mul3A_281 : vector<16xf32> to vector<1x1x16xf32>
          tpu.vector_store %arg6[%swap3A_283, %swap3A_284, %swap3A_285], %swap3A_288 {strides = array<i32>} : memref<6x128x128xf32, #tpu.memory_space<vmem>>, vector<1x1x16xf32>,
          %get3A_289 = arith.constant 1 : i32
          %get3A_290 = arith.index_cast %get3A_289 : i32 to index
          %get3A_291 = arith.index_cast %scan3A_242 : i32 to index
          %get3A_292 = arith.constant 48 : index
          %get3A_293 = tpu.vector_load %arg6[%get3A_290, %get3A_291, %get3A_292] {strides = array<i32>} : memref<6x128x128xf32, #tpu.memory_space<vmem>>, vector<1x1x16xf32>,
          %get3A_294 = vector.shape_cast %get3A_293 : vector<1x1x16xf32> to vector<16xf32>
          %mul3A_295 = arith.constant 11.3137083 : f32
          %mul3A_296 = vector.broadcast %mul3A_295 : f32 to vector<16xf32>
          %mul3A_297 = arith.mulf %get3A_294, %mul3A_296 : vector<16xf32>
          %swap3A_298 = arith.constant 1 : i32
          %swap3A_299 = arith.index_cast %swap3A_298 : i32 to index
          %swap3A_300 = arith.index_cast %scan3A_242 : i32 to index
          %swap3A_301 = arith.constant 48 : index
          %swap3A_302 = tpu.vector_load %arg6[%swap3A_299, %swap3A_300, %swap3A_301] {strides = array<i32>} : memref<6x128x128xf32, #tpu.memory_space<vmem>>, vector<1x1x16xf32>,
          %swap3A_303 = vector.shape_cast %swap3A_302 : vector<1x1x16xf32> to vector<16xf32>
          %swap3A_304 = vector.shape_cast %mul3A_297 : vector<16xf32> to vector<1x1x16xf32>
          tpu.vector_store %arg6[%swap3A_299, %swap3A_300, %swap3A_301], %swap3A_304 {strides = array<i32>} : memref<6x128x128xf32, #tpu.memory_space<vmem>>, vector<1x1x16xf32>,
          %get3A_305 = arith.constant 1 : i32
          %get3A_306 = arith.index_cast %get3A_305 : i32 to index
          %get3A_307 = arith.index_cast %scan3A_242 : i32 to index
          %get3A_308 = arith.constant 64 : index
          %get3A_309 = tpu.vector_load %arg6[%get3A_306, %get3A_307, %get3A_308] {strides = array<i32>} : memref<6x128x128xf32, #tpu.memory_space<vmem>>, vector<1x1x16xf32>,
          %get3A_310 = vector.shape_cast %get3A_309 : vector<1x1x16xf32> to vector<16xf32>
          %mul3A_311 = arith.constant 11.3137083 : f32
          %mul3A_312 = vector.broadcast %mul3A_311 : f32 to vector<16xf32>
          %mul3A_313 = arith.mulf %get3A_310, %mul3A_312 : vector<16xf32>
          %swap3A_314 = arith.constant 1 : i32
          %swap3A_315 = arith.index_cast %swap3A_314 : i32 to index
          %swap3A_316 = arith.index_cast %scan3A_242 : i32 to index
          %swap3A_317 = arith.constant 64 : index
          %swap3A_318 = tpu.vector_load %arg6[%swap3A_315, %swap3A_316, %swap3A_317] {strides = array<i32>} : memref<6x128x128xf32, #tpu.memory_space<vmem>>, vector<1x1x16xf32>,
          %swap3A_319 = vector.shape_cast %swap3A_318 : vector<1x1x16xf32> to vector<16xf32>
          %swap3A_320 = vector.shape_cast %mul3A_313 : vector<16xf32> to vector<1x1x16xf32>
          tpu.vector_store %arg6[%swap3A_315, %swap3A_316, %swap3A_317], %swap3A_320 {strides = array<i32>} : memref<6x128x128xf32, #tpu.memory_space<vmem>>, vector<1x1x16xf32>,
          %get3A_321 = arith.constant 1 : i32
          %get3A_322 = arith.index_cast %get3A_321 : i32 to index
          %get3A_323 = arith.index_cast %scan3A_242 : i32 to index
          %get3A_324 = arith.constant 80 : index
          %get3A_325 = tpu.vector_load %arg6[%get3A_322, %get3A_323, %get3A_324] {strides = array<i32>} : memref<6x128x128xf32, #tpu.memory_space<vmem>>, vector<1x1x16xf32>,
          %get3A_326 = vector.shape_cast %get3A_325 : vector<1x1x16xf32> to vector<16xf32>
          %mul3A_327 = arith.constant 11.3137083 : f32
          %mul3A_328 = vector.broadcast %mul3A_327 : f32 to vector<16xf32>
          %mul3A_329 = arith.mulf %get3A_326, %mul3A_328 : vector<16xf32>
          %swap3A_330 = arith.constant 1 : i32
          %swap3A_331 = arith.index_cast %swap3A_330 : i32 to index
          %swap3A_332 = arith.index_cast %scan3A_242 : i32 to index
          %swap3A_333 = arith.constant 80 : index
          %swap3A_334 = tpu.vector_load %arg6[%swap3A_331, %swap3A_332, %swap3A_333] {strides = array<i32>} : memref<6x128x128xf32, #tpu.memory_space<vmem>>, vector<1x1x16xf32>,
          %swap3A_335 = vector.shape_cast %swap3A_334 : vector<1x1x16xf32> to vector<16xf32>
          %swap3A_336 = vector.shape_cast %mul3A_329 : vector<16xf32> to vector<1x1x16xf32>
          tpu.vector_store %arg6[%swap3A_331, %swap3A_332, %swap3A_333], %swap3A_336 {strides = array<i32>} : memref<6x128x128xf32, #tpu.memory_space<vmem>>, vector<1x1x16xf32>,
          %get3A_337 = arith.constant 1 : i32
          %get3A_338 = arith.index_cast %get3A_337 : i32 to index
          %get3A_339 = arith.index_cast %scan3A_242 : i32 to index
          %get3A_340 = arith.constant 96 : index
          %get3A_341 = tpu.vector_load %arg6[%get3A_338, %get3A_339, %get3A_340] {strides = array<i32>} : memref<6x128x128xf32, #tpu.memory_space<vmem>>, vector<1x1x16xf32>,
          %get3A_342 = vector.shape_cast %get3A_341 : vector<1x1x16xf32> to vector<16xf32>
          %mul3A_343 = arith.constant 11.3137083 : f32
          %mul3A_344 = vector.broadcast %mul3A_343 : f32 to vector<16xf32>
          %mul3A_345 = arith.mulf %get3A_342, %mul3A_344 : vector<16xf32>
          %swap3A_346 = arith.constant 1 : i32
          %swap3A_347 = arith.index_cast %swap3A_346 : i32 to index
          %swap3A_348 = arith.index_cast %scan3A_242 : i32 to index
          %swap3A_349 = arith.constant 96 : index
          %swap3A_350 = tpu.vector_load %arg6[%swap3A_347, %swap3A_348, %swap3A_349] {strides = array<i32>} : memref<6x128x128xf32, #tpu.memory_space<vmem>>, vector<1x1x16xf32>,
          %swap3A_351 = vector.shape_cast %swap3A_350 : vector<1x1x16xf32> to vector<16xf32>
          %swap3A_352 = vector.shape_cast %mul3A_345 : vector<16xf32> to vector<1x1x16xf32>
          tpu.vector_store %arg6[%swap3A_347, %swap3A_348, %swap3A_349], %swap3A_352 {strides = array<i32>} : memref<6x128x128xf32, #tpu.memory_space<vmem>>, vector<1x1x16xf32>,
          %get3A_353 = arith.constant 1 : i32
          %get3A_354 = arith.index_cast %get3A_353 : i32 to index
          %get3A_355 = arith.index_cast %scan3A_242 : i32 to index
          %get3A_356 = arith.constant 112 : index
          %get3A_357 = tpu.vector_load %arg6[%get3A_354, %get3A_355, %get3A_356] {strides = array<i32>} : memref<6x128x128xf32, #tpu.memory_space<vmem>>, vector<1x1x16xf32>,
          %get3A_358 = vector.shape_cast %get3A_357 : vector<1x1x16xf32> to vector<16xf32>
          %mul3A_359 = arith.constant 11.3137083 : f32
          %mul3A_360 = vector.broadcast %mul3A_359 : f32 to vector<16xf32>
          %mul3A_361 = arith.mulf %get3A_358, %mul3A_360 : vector<16xf32>
          %swap3A_362 = arith.constant 1 : i32
          %swap3A_363 = arith.index_cast %swap3A_362 : i32 to index
          %swap3A_364 = arith.index_cast %scan3A_242 : i32 to index
          %swap3A_365 = arith.constant 112 : index
          %swap3A_366 = tpu.vector_load %arg6[%swap3A_363, %swap3A_364, %swap3A_365] {strides = array<i32>} : memref<6x128x128xf32, #tpu.memory_space<vmem>>, vector<1x1x16xf32>,
          %swap3A_367 = vector.shape_cast %swap3A_366 : vector<1x1x16xf32> to vector<16xf32>
          %swap3A_368 = vector.shape_cast %mul3A_361 : vector<16xf32> to vector<1x1x16xf32>
          tpu.vector_store %arg6[%swap3A_363, %swap3A_364, %swap3A_365], %swap3A_368 {strides = array<i32>} : memref<6x128x128xf32, #tpu.memory_space<vmem>>, vector<1x1x16xf32>,
        }
        %scan3A_226 = arith.constant 128 : i32
        %mul3A_227 = arith.constant 128 : i32
        %mul3A_228 = arith.muli %sub3A_178, %mul3A_227 : i32
        %add3A_229 = arith.addi %mul3A_2, %mul3A_228 : i32
        %dma_start3A = arith.constant 1 : i32
        %dma_start3A_230 = arith.constant 0 : i32
        %dma_start3A_231 = arith.constant 0 : i32
        %dma_start3A_232 = tpu.memref_slice %arg6[%dma_start3A, %dma_start3A_230, %dma_start3A_231] : memref<6x128x128xf32, #tpu.memory_space<vmem>> -> memref<1x128x128xf32, #tpu.memory_space<vmem>>
        %dma_start3A_233 = tpu.memref_squeeze %dma_start3A_232 : memref<1x128x128xf32, #tpu.memory_space<vmem>> -> memref<128x128xf32, #tpu.memory_space<vmem>>
        %dma_start3A_234 = arith.constant 0 : i32
        %dma_start3A_235 = tpu.memref_slice %arg4[%add3A_229, %dma_start3A_234] : memref<819200x128xf32, #tpu.memory_space<hbm>> -> memref<128x128xf32, #tpu.memory_space<hbm>>
        %dma_start3A_236 = arith.constant 0 : i32
        %dma_start3A_237 = tpu.memref_slice %arg4[%add3A_229, %dma_start3A_236] : memref<819200x128xf32, #tpu.memory_space<hbm>> -> memref<128x128xf32, #tpu.memory_space<hbm>>
        %dma_start3A_238 = arith.constant 0 : i32
        %dma_start3A_239 = arith.constant 0 : i32
        %dma_start3A_240 = tpu.memref_slice %arg6[%dma_start3A, %dma_start3A_238, %dma_start3A_239] : memref<6x128x128xf32, #tpu.memory_space<vmem>> -> memref<1x128x128xf32, #tpu.memory_space<vmem>>
        %dma_start3A_241 = tpu.memref_squeeze %dma_start3A_240 : memref<1x128x128xf32, #tpu.memory_space<vmem>> -> memref<128x128xf32, #tpu.memory_space<vmem>>
        tpu.enqueue_dma source(%dma_start3A_241 : memref<128x128xf32, #tpu.memory_space<vmem>>) target(%dma_start3A_237 : memref<128x128xf32, #tpu.memory_space<hbm>>) target_semaphore(%arg14 : memref<!tpu.dma_semaphore, #tpu.memory_space<semaphore_mem>>)
      } else {
      }
      %mul3A_187 = arith.constant 6 : i32
      %mul3A_188 = arith.muli %scan3A_97, %mul3A_187 : i32
      %add3A_189 = arith.constant 5 : i32
      %add3A_190 = arith.addi %mul3A_188, %add3A_189 : i32
      %lt3A_191 = arith.constant 200 : i32
      %lt3A_192 = arith.cmpi slt, %add3A_190, %lt3A_191 : i32
      %convert_element_type3A_193 = arith.extui %lt3A_192 : i1 to i32
      %cond3A_194 = arith.constant 0 : i32
      %cond3A_195 = arith.cmpi ne, %convert_element_type3A_193, %cond3A_194 : i32
      scf.if %cond3A_195 {
        %ge3A_206 = arith.constant 6 : i32
        %ge3A_207 = arith.cmpi sge, %add3A_190, %ge3A_206 : i32
        %convert_element_type3A_208 = arith.extui %ge3A_207 : i1 to i32
        %cond3A_209 = arith.constant 0 : i32
        %cond3A_210 = arith.cmpi ne, %convert_element_type3A_208, %cond3A_209 : i32
        scf.if %cond3A_210 {
          %dma_wait3A_221 = arith.constant 5 : i32
          %dma_wait3A_222 = arith.constant 0 : i32
          %dma_wait3A_223 = arith.constant 0 : i32
          %dma_wait3A_224 = tpu.memref_slice %arg6[%dma_wait3A_221, %dma_wait3A_222, %dma_wait3A_223] : memref<6x128x128xf32, #tpu.memory_space<vmem>> -> memref<1x128x128xf32, #tpu.memory_space<vmem>>
          %dma_wait3A_225 = tpu.memref_squeeze %dma_wait3A_224 : memref<1x128x128xf32, #tpu.memory_space<vmem>> -> memref<128x128xf32, #tpu.memory_space<vmem>>
          %dma_wait3A_226 = arith.constant 0 : i32
          %dma_wait3A_227 = arith.constant 0 : i32
          %dma_wait3A_228 = tpu.memref_slice %arg4[%dma_wait3A_226, %dma_wait3A_227] : memref<819200x128xf32, #tpu.memory_space<hbm>> -> memref<128x128xf32, #tpu.memory_space<hbm>>
          %dma_wait3A_229 = arith.constant 0 : i32
          %dma_wait3A_230 = arith.constant 0 : i32
          %dma_wait3A_231 = tpu.memref_slice %arg4[%dma_wait3A_229, %dma_wait3A_230] : memref<819200x128xf32, #tpu.memory_space<hbm>> -> memref<128x128xf32, #tpu.memory_space<hbm>>
          %dma_wait3A_232 = arith.constant 0 : i32
          %dma_wait3A_233 = arith.constant 0 : i32
          %dma_wait3A_234 = tpu.memref_slice %arg6[%dma_wait3A_221, %dma_wait3A_232, %dma_wait3A_233] : memref<6x128x128xf32, #tpu.memory_space<vmem>> -> memref<1x128x128xf32, #tpu.memory_space<vmem>>
          %dma_wait3A_235 = tpu.memref_squeeze %dma_wait3A_234 : memref<1x128x128xf32, #tpu.memory_space<vmem>> -> memref<128x128xf32, #tpu.memory_space<vmem>>
          tpu.wait_dma2 semaphore(%arg18 : memref<!tpu.dma_semaphore, #tpu.memory_space<semaphore_mem>>) src(%dma_wait3A_235 : memref<128x128xf32, #tpu.memory_space<vmem>>) dst(%dma_wait3A_231 : memref<128x128xf32, #tpu.memory_space<hbm>>)
        } else {
        }
        %dma_start3A = arith.constant 5 : i32
        %dma_start3A_211 = arith.constant 0 : i32
        %dma_start3A_212 = arith.constant 0 : i32
        %dma_start3A_213 = tpu.memref_slice %arg6[%dma_start3A, %dma_start3A_211, %dma_start3A_212] : memref<6x128x128xf32, #tpu.memory_space<vmem>> -> memref<1x128x128xf32, #tpu.memory_space<vmem>>
        %dma_start3A_214 = tpu.memref_squeeze %dma_start3A_213 : memref<1x128x128xf32, #tpu.memory_space<vmem>> -> memref<128x128xf32, #tpu.memory_space<vmem>>
        %dma_start3A_215 = arith.constant 0 : i32
        %dma_start3A_216 = tpu.memref_slice %arg5[%add3A_190, %dma_start3A_215] : memref<200x128xi32, #tpu.memory_space<vmem>> -> memref<1x128xi32, #tpu.memory_space<vmem>>
        %dma_start3A_217 = tpu.memref_squeeze %dma_start3A_216 : memref<1x128xi32, #tpu.memory_space<vmem>> -> memref<128xi32, #tpu.memory_space<vmem>>
        %dma_start3A_218 = arith.constant 0 : i32
        %dma_start3A_219 = arith.constant 0 : i32
        %dma_start3A_220 = tpu.memref_slice %arg3[%dma_start3A_218, %dma_start3A_219] : memref<100000x128xf32, #tpu.memory_space<hbm>> -> memref<100000x128xf32, #tpu.memory_space<hbm>>
        tpu.enqueue_indirect_dma source(%dma_start3A_220 : memref<100000x128xf32, #tpu.memory_space<hbm>>) target(%dma_start3A_214 : memref<128x128xf32, #tpu.memory_space<vmem>>) offsets(%dma_start3A_217 : memref<128xi32, #tpu.memory_space<vmem>>) semaphore(%arg12 : memref<!tpu.dma_semaphore, #tpu.memory_space<semaphore_mem>>)
      } else {
      }
      %sub3A_196 = arith.constant 3 : i32
      %sub3A_197 = arith.subi %add3A_190, %sub3A_196 : i32
      %ge3A_198 = arith.constant 0 : i32
      %ge3A_199 = arith.cmpi sge, %sub3A_197, %ge3A_198 : i32
      %lt3A_200 = arith.constant 200 : i32
      %lt3A_201 = arith.cmpi slt, %sub3A_197, %lt3A_200 : i32
      %and3A_202 = arith.andi %ge3A_199, %lt3A_201 : i1
      %convert_element_type3A_203 = arith.extui %and3A_202 : i1 to i32
      %cond3A_204 = arith.constant 0 : i32
      %cond3A_205 = arith.cmpi ne, %convert_element_type3A_203, %cond3A_204 : i32
      scf.if %cond3A_205 {
        %dma_wait3A_206 = arith.constant 2 : i32
        %dma_wait3A_207 = arith.constant 0 : i32
        %dma_wait3A_208 = arith.constant 0 : i32
        %dma_wait3A_209 = tpu.memref_slice %arg6[%dma_wait3A_206, %dma_wait3A_207, %dma_wait3A_208] : memref<6x128x128xf32, #tpu.memory_space<vmem>> -> memref<1x128x128xf32, #tpu.memory_space<vmem>>
        %dma_wait3A_210 = tpu.memref_squeeze %dma_wait3A_209 : memref<1x128x128xf32, #tpu.memory_space<vmem>> -> memref<128x128xf32, #tpu.memory_space<vmem>>
        %dma_wait3A_211 = arith.constant 0 : i32
        %dma_wait3A_212 = arith.constant 0 : i32
        %dma_wait3A_213 = tpu.memref_slice %arg3[%dma_wait3A_211, %dma_wait3A_212] : memref<100000x128xf32, #tpu.memory_space<hbm>> -> memref<128x128xf32, #tpu.memory_space<hbm>>
        %dma_wait3A_214 = arith.constant 0 : i32
        %dma_wait3A_215 = arith.constant 0 : i32
        %dma_wait3A_216 = tpu.memref_slice %arg6[%dma_wait3A_206, %dma_wait3A_214, %dma_wait3A_215] : memref<6x128x128xf32, #tpu.memory_space<vmem>> -> memref<1x128x128xf32, #tpu.memory_space<vmem>>
        %dma_wait3A_217 = tpu.memref_squeeze %dma_wait3A_216 : memref<1x128x128xf32, #tpu.memory_space<vmem>> -> memref<128x128xf32, #tpu.memory_space<vmem>>
        %dma_wait3A_218 = arith.constant 0 : i32
        %dma_wait3A_219 = arith.constant 0 : i32
        %dma_wait3A_220 = tpu.memref_slice %arg3[%dma_wait3A_218, %dma_wait3A_219] : memref<100000x128xf32, #tpu.memory_space<hbm>> -> memref<128x128xf32, #tpu.memory_space<hbm>>
        tpu.wait_dma2 semaphore(%arg9 : memref<!tpu.dma_semaphore, #tpu.memory_space<semaphore_mem>>) src(%dma_wait3A_220 : memref<128x128xf32, #tpu.memory_space<hbm>>) dst(%dma_wait3A_217 : memref<128x128xf32, #tpu.memory_space<vmem>>)
        %scan3A_221 = arith.constant 0 : i32
        %scan3A_222 = arith.constant 0 : i32
        %scan3A_223 = arith.constant 128 : i32
        %scan3A_224 = arith.addi %scan3A_222, %scan3A_223 : i32
        %scan3A_225 = arith.constant 1 : i32
        scf.for %scan3A_242 = %scan3A_222 to %scan3A_224 step %scan3A_225  : i32 {
          %get3A = arith.constant 2 : i32
          %get3A_243 = arith.index_cast %get3A : i32 to index
          %get3A_244 = arith.index_cast %scan3A_242 : i32 to index
          %get3A_245 = arith.constant 0 : index
          %get3A_246 = tpu.vector_load %arg6[%get3A_243, %get3A_244, %get3A_245] {strides = array<i32>} : memref<6x128x128xf32, #tpu.memory_space<vmem>>, vector<1x1x16xf32>,
          %get3A_247 = vector.shape_cast %get3A_246 : vector<1x1x16xf32> to vector<16xf32>
          %mul3A_248 = arith.constant 11.3137083 : f32
          %mul3A_249 = vector.broadcast %mul3A_248 : f32 to vector<16xf32>
          %mul3A_250 = arith.mulf %get3A_247, %mul3A_249 : vector<16xf32>
          %swap3A = arith.constant 2 : i32
          %swap3A_251 = arith.index_cast %swap3A : i32 to index
          %swap3A_252 = arith.index_cast %scan3A_242 : i32 to index
          %swap3A_253 = arith.constant 0 : index
          %swap3A_254 = tpu.vector_load %arg6[%swap3A_251, %swap3A_252, %swap3A_253] {strides = array<i32>} : memref<6x128x128xf32, #tpu.memory_space<vmem>>, vector<1x1x16xf32>,
          %swap3A_255 = vector.shape_cast %swap3A_254 : vector<1x1x16xf32> to vector<16xf32>
          %swap3A_256 = vector.shape_cast %mul3A_250 : vector<16xf32> to vector<1x1x16xf32>
          tpu.vector_store %arg6[%swap3A_251, %swap3A_252, %swap3A_253], %swap3A_256 {strides = array<i32>} : memref<6x128x128xf32, #tpu.memory_space<vmem>>, vector<1x1x16xf32>,
          %get3A_257 = arith.constant 2 : i32
          %get3A_258 = arith.index_cast %get3A_257 : i32 to index
          %get3A_259 = arith.index_cast %scan3A_242 : i32 to index
          %get3A_260 = arith.constant 16 : index
          %get3A_261 = tpu.vector_load %arg6[%get3A_258, %get3A_259, %get3A_260] {strides = array<i32>} : memref<6x128x128xf32, #tpu.memory_space<vmem>>, vector<1x1x16xf32>,
          %get3A_262 = vector.shape_cast %get3A_261 : vector<1x1x16xf32> to vector<16xf32>
          %mul3A_263 = arith.constant 11.3137083 : f32
          %mul3A_264 = vector.broadcast %mul3A_263 : f32 to vector<16xf32>
          %mul3A_265 = arith.mulf %get3A_262, %mul3A_264 : vector<16xf32>
          %swap3A_266 = arith.constant 2 : i32
          %swap3A_267 = arith.index_cast %swap3A_266 : i32 to index
          %swap3A_268 = arith.index_cast %scan3A_242 : i32 to index
          %swap3A_269 = arith.constant 16 : index
          %swap3A_270 = tpu.vector_load %arg6[%swap3A_267, %swap3A_268, %swap3A_269] {strides = array<i32>} : memref<6x128x128xf32, #tpu.memory_space<vmem>>, vector<1x1x16xf32>,
          %swap3A_271 = vector.shape_cast %swap3A_270 : vector<1x1x16xf32> to vector<16xf32>
          %swap3A_272 = vector.shape_cast %mul3A_265 : vector<16xf32> to vector<1x1x16xf32>
          tpu.vector_store %arg6[%swap3A_267, %swap3A_268, %swap3A_269], %swap3A_272 {strides = array<i32>} : memref<6x128x128xf32, #tpu.memory_space<vmem>>, vector<1x1x16xf32>,
          %get3A_273 = arith.constant 2 : i32
          %get3A_274 = arith.index_cast %get3A_273 : i32 to index
          %get3A_275 = arith.index_cast %scan3A_242 : i32 to index
          %get3A_276 = arith.constant 32 : index
          %get3A_277 = tpu.vector_load %arg6[%get3A_274, %get3A_275, %get3A_276] {strides = array<i32>} : memref<6x128x128xf32, #tpu.memory_space<vmem>>, vector<1x1x16xf32>,
          %get3A_278 = vector.shape_cast %get3A_277 : vector<1x1x16xf32> to vector<16xf32>
          %mul3A_279 = arith.constant 11.3137083 : f32
          %mul3A_280 = vector.broadcast %mul3A_279 : f32 to vector<16xf32>
          %mul3A_281 = arith.mulf %get3A_278, %mul3A_280 : vector<16xf32>
          %swap3A_282 = arith.constant 2 : i32
          %swap3A_283 = arith.index_cast %swap3A_282 : i32 to index
          %swap3A_284 = arith.index_cast %scan3A_242 : i32 to index
          %swap3A_285 = arith.constant 32 : index
          %swap3A_286 = tpu.vector_load %arg6[%swap3A_283, %swap3A_284, %swap3A_285] {strides = array<i32>} : memref<6x128x128xf32, #tpu.memory_space<vmem>>, vector<1x1x16xf32>,
          %swap3A_287 = vector.shape_cast %swap3A_286 : vector<1x1x16xf32> to vector<16xf32>
          %swap3A_288 = vector.shape_cast %mul3A_281 : vector<16xf32> to vector<1x1x16xf32>
          tpu.vector_store %arg6[%swap3A_283, %swap3A_284, %swap3A_285], %swap3A_288 {strides = array<i32>} : memref<6x128x128xf32, #tpu.memory_space<vmem>>, vector<1x1x16xf32>,
          %get3A_289 = arith.constant 2 : i32
          %get3A_290 = arith.index_cast %get3A_289 : i32 to index
          %get3A_291 = arith.index_cast %scan3A_242 : i32 to index
          %get3A_292 = arith.constant 48 : index
          %get3A_293 = tpu.vector_load %arg6[%get3A_290, %get3A_291, %get3A_292] {strides = array<i32>} : memref<6x128x128xf32, #tpu.memory_space<vmem>>, vector<1x1x16xf32>,
          %get3A_294 = vector.shape_cast %get3A_293 : vector<1x1x16xf32> to vector<16xf32>
          %mul3A_295 = arith.constant 11.3137083 : f32
          %mul3A_296 = vector.broadcast %mul3A_295 : f32 to vector<16xf32>
          %mul3A_297 = arith.mulf %get3A_294, %mul3A_296 : vector<16xf32>
          %swap3A_298 = arith.constant 2 : i32
          %swap3A_299 = arith.index_cast %swap3A_298 : i32 to index
          %swap3A_300 = arith.index_cast %scan3A_242 : i32 to index
          %swap3A_301 = arith.constant 48 : index
          %swap3A_302 = tpu.vector_load %arg6[%swap3A_299, %swap3A_300, %swap3A_301] {strides = array<i32>} : memref<6x128x128xf32, #tpu.memory_space<vmem>>, vector<1x1x16xf32>,
          %swap3A_303 = vector.shape_cast %swap3A_302 : vector<1x1x16xf32> to vector<16xf32>
          %swap3A_304 = vector.shape_cast %mul3A_297 : vector<16xf32> to vector<1x1x16xf32>
          tpu.vector_store %arg6[%swap3A_299, %swap3A_300, %swap3A_301], %swap3A_304 {strides = array<i32>} : memref<6x128x128xf32, #tpu.memory_space<vmem>>, vector<1x1x16xf32>,
          %get3A_305 = arith.constant 2 : i32
          %get3A_306 = arith.index_cast %get3A_305 : i32 to index
          %get3A_307 = arith.index_cast %scan3A_242 : i32 to index
          %get3A_308 = arith.constant 64 : index
          %get3A_309 = tpu.vector_load %arg6[%get3A_306, %get3A_307, %get3A_308] {strides = array<i32>} : memref<6x128x128xf32, #tpu.memory_space<vmem>>, vector<1x1x16xf32>,
          %get3A_310 = vector.shape_cast %get3A_309 : vector<1x1x16xf32> to vector<16xf32>
          %mul3A_311 = arith.constant 11.3137083 : f32
          %mul3A_312 = vector.broadcast %mul3A_311 : f32 to vector<16xf32>
          %mul3A_313 = arith.mulf %get3A_310, %mul3A_312 : vector<16xf32>
          %swap3A_314 = arith.constant 2 : i32
          %swap3A_315 = arith.index_cast %swap3A_314 : i32 to index
          %swap3A_316 = arith.index_cast %scan3A_242 : i32 to index
          %swap3A_317 = arith.constant 64 : index
          %swap3A_318 = tpu.vector_load %arg6[%swap3A_315, %swap3A_316, %swap3A_317] {strides = array<i32>} : memref<6x128x128xf32, #tpu.memory_space<vmem>>, vector<1x1x16xf32>,
          %swap3A_319 = vector.shape_cast %swap3A_318 : vector<1x1x16xf32> to vector<16xf32>
          %swap3A_320 = vector.shape_cast %mul3A_313 : vector<16xf32> to vector<1x1x16xf32>
          tpu.vector_store %arg6[%swap3A_315, %swap3A_316, %swap3A_317], %swap3A_320 {strides = array<i32>} : memref<6x128x128xf32, #tpu.memory_space<vmem>>, vector<1x1x16xf32>,
          %get3A_321 = arith.constant 2 : i32
          %get3A_322 = arith.index_cast %get3A_321 : i32 to index
          %get3A_323 = arith.index_cast %scan3A_242 : i32 to index
          %get3A_324 = arith.constant 80 : index
          %get3A_325 = tpu.vector_load %arg6[%get3A_322, %get3A_323, %get3A_324] {strides = array<i32>} : memref<6x128x128xf32, #tpu.memory_space<vmem>>, vector<1x1x16xf32>,
          %get3A_326 = vector.shape_cast %get3A_325 : vector<1x1x16xf32> to vector<16xf32>
          %mul3A_327 = arith.constant 11.3137083 : f32
          %mul3A_328 = vector.broadcast %mul3A_327 : f32 to vector<16xf32>
          %mul3A_329 = arith.mulf %get3A_326, %mul3A_328 : vector<16xf32>
          %swap3A_330 = arith.constant 2 : i32
          %swap3A_331 = arith.index_cast %swap3A_330 : i32 to index
          %swap3A_332 = arith.index_cast %scan3A_242 : i32 to index
          %swap3A_333 = arith.constant 80 : index
          %swap3A_334 = tpu.vector_load %arg6[%swap3A_331, %swap3A_332, %swap3A_333] {strides = array<i32>} : memref<6x128x128xf32, #tpu.memory_space<vmem>>, vector<1x1x16xf32>,
          %swap3A_335 = vector.shape_cast %swap3A_334 : vector<1x1x16xf32> to vector<16xf32>
          %swap3A_336 = vector.shape_cast %mul3A_329 : vector<16xf32> to vector<1x1x16xf32>
          tpu.vector_store %arg6[%swap3A_331, %swap3A_332, %swap3A_333], %swap3A_336 {strides = array<i32>} : memref<6x128x128xf32, #tpu.memory_space<vmem>>, vector<1x1x16xf32>,
          %get3A_337 = arith.constant 2 : i32
          %get3A_338 = arith.index_cast %get3A_337 : i32 to index
          %get3A_339 = arith.index_cast %scan3A_242 : i32 to index
          %get3A_340 = arith.constant 96 : index
          %get3A_341 = tpu.vector_load %arg6[%get3A_338, %get3A_339, %get3A_340] {strides = array<i32>} : memref<6x128x128xf32, #tpu.memory_space<vmem>>, vector<1x1x16xf32>,
          %get3A_342 = vector.shape_cast %get3A_341 : vector<1x1x16xf32> to vector<16xf32>
          %mul3A_343 = arith.constant 11.3137083 : f32
          %mul3A_344 = vector.broadcast %mul3A_343 : f32 to vector<16xf32>
          %mul3A_345 = arith.mulf %get3A_342, %mul3A_344 : vector<16xf32>
          %swap3A_346 = arith.constant 2 : i32
          %swap3A_347 = arith.index_cast %swap3A_346 : i32 to index
          %swap3A_348 = arith.index_cast %scan3A_242 : i32 to index
          %swap3A_349 = arith.constant 96 : index
          %swap3A_350 = tpu.vector_load %arg6[%swap3A_347, %swap3A_348, %swap3A_349] {strides = array<i32>} : memref<6x128x128xf32, #tpu.memory_space<vmem>>, vector<1x1x16xf32>,
          %swap3A_351 = vector.shape_cast %swap3A_350 : vector<1x1x16xf32> to vector<16xf32>
          %swap3A_352 = vector.shape_cast %mul3A_345 : vector<16xf32> to vector<1x1x16xf32>
          tpu.vector_store %arg6[%swap3A_347, %swap3A_348, %swap3A_349], %swap3A_352 {strides = array<i32>} : memref<6x128x128xf32, #tpu.memory_space<vmem>>, vector<1x1x16xf32>,
          %get3A_353 = arith.constant 2 : i32
          %get3A_354 = arith.index_cast %get3A_353 : i32 to index
          %get3A_355 = arith.index_cast %scan3A_242 : i32 to index
          %get3A_356 = arith.constant 112 : index
          %get3A_357 = tpu.vector_load %arg6[%get3A_354, %get3A_355, %get3A_356] {strides = array<i32>} : memref<6x128x128xf32, #tpu.memory_space<vmem>>, vector<1x1x16xf32>,
          %get3A_358 = vector.shape_cast %get3A_357 : vector<1x1x16xf32> to vector<16xf32>
          %mul3A_359 = arith.constant 11.3137083 : f32
          %mul3A_360 = vector.broadcast %mul3A_359 : f32 to vector<16xf32>
          %mul3A_361 = arith.mulf %get3A_358, %mul3A_360 : vector<16xf32>
          %swap3A_362 = arith.constant 2 : i32
          %swap3A_363 = arith.index_cast %swap3A_362 : i32 to index
          %swap3A_364 = arith.index_cast %scan3A_242 : i32 to index
          %swap3A_365 = arith.constant 112 : index
          %swap3A_366 = tpu.vector_load %arg6[%swap3A_363, %swap3A_364, %swap3A_365] {strides = array<i32>} : memref<6x128x128xf32, #tpu.memory_space<vmem>>, vector<1x1x16xf32>,
          %swap3A_367 = vector.shape_cast %swap3A_366 : vector<1x1x16xf32> to vector<16xf32>
          %swap3A_368 = vector.shape_cast %mul3A_361 : vector<16xf32> to vector<1x1x16xf32>
          tpu.vector_store %arg6[%swap3A_363, %swap3A_364, %swap3A_365], %swap3A_368 {strides = array<i32>} : memref<6x128x128xf32, #tpu.memory_space<vmem>>, vector<1x1x16xf32>,
        }
        %scan3A_226 = arith.constant 128 : i32
        %mul3A_227 = arith.constant 128 : i32
        %mul3A_228 = arith.muli %sub3A_197, %mul3A_227 : i32
        %add3A_229 = arith.addi %mul3A_2, %mul3A_228 : i32
        %dma_start3A = arith.constant 2 : i32
        %dma_start3A_230 = arith.constant 0 : i32
        %dma_start3A_231 = arith.constant 0 : i32
        %dma_start3A_232 = tpu.memref_slice %arg6[%dma_start3A, %dma_start3A_230, %dma_start3A_231] : memref<6x128x128xf32, #tpu.memory_space<vmem>> -> memref<1x128x128xf32, #tpu.memory_space<vmem>>
        %dma_start3A_233 = tpu.memref_squeeze %dma_start3A_232 : memref<1x128x128xf32, #tpu.memory_space<vmem>> -> memref<128x128xf32, #tpu.memory_space<vmem>>
        %dma_start3A_234 = arith.constant 0 : i32
        %dma_start3A_235 = tpu.memref_slice %arg4[%add3A_229, %dma_start3A_234] : memref<819200x128xf32, #tpu.memory_space<hbm>> -> memref<128x128xf32, #tpu.memory_space<hbm>>
        %dma_start3A_236 = arith.constant 0 : i32
        %dma_start3A_237 = tpu.memref_slice %arg4[%add3A_229, %dma_start3A_236] : memref<819200x128xf32, #tpu.memory_space<hbm>> -> memref<128x128xf32, #tpu.memory_space<hbm>>
        %dma_start3A_238 = arith.constant 0 : i32
        %dma_start3A_239 = arith.constant 0 : i32
        %dma_start3A_240 = tpu.memref_slice %arg6[%dma_start3A, %dma_start3A_238, %dma_start3A_239] : memref<6x128x128xf32, #tpu.memory_space<vmem>> -> memref<1x128x128xf32, #tpu.memory_space<vmem>>
        %dma_start3A_241 = tpu.memref_squeeze %dma_start3A_240 : memref<1x128x128xf32, #tpu.memory_space<vmem>> -> memref<128x128xf32, #tpu.memory_space<vmem>>
        tpu.enqueue_dma source(%dma_start3A_241 : memref<128x128xf32, #tpu.memory_space<vmem>>) target(%dma_start3A_237 : memref<128x128xf32, #tpu.memory_space<hbm>>) target_semaphore(%arg15 : memref<!tpu.dma_semaphore, #tpu.memory_space<semaphore_mem>>)
      } else {
      }
    }
    %scan3A_7 = arith.constant 34 : i32
    %dma_wait3A = arith.constant 0 : i32
    %dma_wait3A_8 = arith.constant 0 : i32
    %dma_wait3A_9 = arith.constant 0 : i32
    %dma_wait3A_10 = tpu.memref_slice %arg6[%dma_wait3A, %dma_wait3A_8, %dma_wait3A_9] : memref<6x128x128xf32, #tpu.memory_space<vmem>> -> memref<1x128x128xf32, #tpu.memory_space<vmem>>
    %dma_wait3A_11 = tpu.memref_squeeze %dma_wait3A_10 : memref<1x128x128xf32, #tpu.memory_space<vmem>> -> memref<128x128xf32, #tpu.memory_space<vmem>>
    %dma_wait3A_12 = arith.constant 0 : i32
    %dma_wait3A_13 = arith.constant 0 : i32
    %dma_wait3A_14 = tpu.memref_slice %arg4[%dma_wait3A_12, %dma_wait3A_13] : memref<819200x128xf32, #tpu.memory_space<hbm>> -> memref<128x128xf32, #tpu.memory_space<hbm>>
    %dma_wait3A_15 = arith.constant 0 : i32
    %dma_wait3A_16 = arith.constant 0 : i32
    %dma_wait3A_17 = tpu.memref_slice %arg4[%dma_wait3A_15, %dma_wait3A_16] : memref<819200x128xf32, #tpu.memory_space<hbm>> -> memref<128x128xf32, #tpu.memory_space<hbm>>
    %dma_wait3A_18 = arith.constant 0 : i32
    %dma_wait3A_19 = arith.constant 0 : i32
    %dma_wait3A_20 = tpu.memref_slice %arg6[%dma_wait3A, %dma_wait3A_18, %dma_wait3A_19] : memref<6x128x128xf32, #tpu.memory_space<vmem>> -> memref<1x128x128xf32, #tpu.memory_space<vmem>>
    %dma_wait3A_21 = tpu.memref_squeeze %dma_wait3A_20 : memref<1x128x128xf32, #tpu.memory_space<vmem>> -> memref<128x128xf32, #tpu.memory_space<vmem>>
    tpu.wait_dma2 semaphore(%arg13 : memref<!tpu.dma_semaphore, #tpu.memory_space<semaphore_mem>>) src(%dma_wait3A_21 : memref<128x128xf32, #tpu.memory_space<vmem>>) dst(%dma_wait3A_17 : memref<128x128xf32, #tpu.memory_space<hbm>>)
    %dma_wait3A_22 = arith.constant 1 : i32
    %dma_wait3A_23 = arith.constant 0 : i32
    %dma_wait3A_24 = arith.constant 0 : i32
    %dma_wait3A_25 = tpu.memref_slice %arg6[%dma_wait3A_22, %dma_wait3A_23, %dma_wait3A_24] : memref<6x128x128xf32, #tpu.memory_space<vmem>> -> memref<1x128x128xf32, #tpu.memory_space<vmem>>
    %dma_wait3A_26 = tpu.memref_squeeze %dma_wait3A_25 : memref<1x128x128xf32, #tpu.memory_space<vmem>> -> memref<128x128xf32, #tpu.memory_space<vmem>>
    %dma_wait3A_27 = arith.constant 0 : i32
    %dma_wait3A_28 = arith.constant 0 : i32
    %dma_wait3A_29 = tpu.memref_slice %arg4[%dma_wait3A_27, %dma_wait3A_28] : memref<819200x128xf32, #tpu.memory_space<hbm>> -> memref<128x128xf32, #tpu.memory_space<hbm>>
    %dma_wait3A_30 = arith.constant 0 : i32
    %dma_wait3A_31 = arith.constant 0 : i32
    %dma_wait3A_32 = tpu.memref_slice %arg4[%dma_wait3A_30, %dma_wait3A_31] : memref<819200x128xf32, #tpu.memory_space<hbm>> -> memref<128x128xf32, #tpu.memory_space<hbm>>
    %dma_wait3A_33 = arith.constant 0 : i32
    %dma_wait3A_34 = arith.constant 0 : i32
    %dma_wait3A_35 = tpu.memref_slice %arg6[%dma_wait3A_22, %dma_wait3A_33, %dma_wait3A_34] : memref<6x128x128xf32, #tpu.memory_space<vmem>> -> memref<1x128x128xf32, #tpu.memory_space<vmem>>
    %dma_wait3A_36 = tpu.memref_squeeze %dma_wait3A_35 : memref<1x128x128xf32, #tpu.memory_space<vmem>> -> memref<128x128xf32, #tpu.memory_space<vmem>>
    tpu.wait_dma2 semaphore(%arg14 : memref<!tpu.dma_semaphore, #tpu.memory_space<semaphore_mem>>) src(%dma_wait3A_36 : memref<128x128xf32, #tpu.memory_space<vmem>>) dst(%dma_wait3A_32 : memref<128x128xf32, #tpu.memory_space<hbm>>)
    %dma_wait3A_37 = arith.constant 2 : i32
    %dma_wait3A_38 = arith.constant 0 : i32
    %dma_wait3A_39 = arith.constant 0 : i32
    %dma_wait3A_40 = tpu.memref_slice %arg6[%dma_wait3A_37, %dma_wait3A_38, %dma_wait3A_39] : memref<6x128x128xf32, #tpu.memory_space<vmem>> -> memref<1x128x128xf32, #tpu.memory_space<vmem>>
    %dma_wait3A_41 = tpu.memref_squeeze %dma_wait3A_40 : memref<1x128x128xf32, #tpu.memory_space<vmem>> -> memref<128x128xf32, #tpu.memory_space<vmem>>
    %dma_wait3A_42 = arith.constant 0 : i32
    %dma_wait3A_43 = arith.constant 0 : i32
    %dma_wait3A_44 = tpu.memref_slice %arg4[%dma_wait3A_42, %dma_wait3A_43] : memref<819200x128xf32, #tpu.memory_space<hbm>> -> memref<128x128xf32, #tpu.memory_space<hbm>>
    %dma_wait3A_45 = arith.constant 0 : i32
    %dma_wait3A_46 = arith.constant 0 : i32
    %dma_wait3A_47 = tpu.memref_slice %arg4[%dma_wait3A_45, %dma_wait3A_46] : memref<819200x128xf32, #tpu.memory_space<hbm>> -> memref<128x128xf32, #tpu.memory_space<hbm>>
    %dma_wait3A_48 = arith.constant 0 : i32
    %dma_wait3A_49 = arith.constant 0 : i32
    %dma_wait3A_50 = tpu.memref_slice %arg6[%dma_wait3A_37, %dma_wait3A_48, %dma_wait3A_49] : memref<6x128x128xf32, #tpu.memory_space<vmem>> -> memref<1x128x128xf32, #tpu.memory_space<vmem>>
    %dma_wait3A_51 = tpu.memref_squeeze %dma_wait3A_50 : memref<1x128x128xf32, #tpu.memory_space<vmem>> -> memref<128x128xf32, #tpu.memory_space<vmem>>
    tpu.wait_dma2 semaphore(%arg15 : memref<!tpu.dma_semaphore, #tpu.memory_space<semaphore_mem>>) src(%dma_wait3A_51 : memref<128x128xf32, #tpu.memory_space<vmem>>) dst(%dma_wait3A_47 : memref<128x128xf32, #tpu.memory_space<hbm>>)
    %dma_wait3A_52 = arith.constant 3 : i32
    %dma_wait3A_53 = arith.constant 0 : i32
    %dma_wait3A_54 = arith.constant 0 : i32
    %dma_wait3A_55 = tpu.memref_slice %arg6[%dma_wait3A_52, %dma_wait3A_53, %dma_wait3A_54] : memref<6x128x128xf32, #tpu.memory_space<vmem>> -> memref<1x128x128xf32, #tpu.memory_space<vmem>>
    %dma_wait3A_56 = tpu.memref_squeeze %dma_wait3A_55 : memref<1x128x128xf32, #tpu.memory_space<vmem>> -> memref<128x128xf32, #tpu.memory_space<vmem>>
    %dma_wait3A_57 = arith.constant 0 : i32
    %dma_wait3A_58 = arith.constant 0 : i32
    %dma_wait3A_59 = tpu.memref_slice %arg4[%dma_wait3A_57, %dma_wait3A_58] : memref<819200x128xf32, #tpu.memory_space<hbm>> -> memref<128x128xf32, #tpu.memory_space<hbm>>
    %dma_wait3A_60 = arith.constant 0 : i32
    %dma_wait3A_61 = arith.constant 0 : i32
    %dma_wait3A_62 = tpu.memref_slice %arg4[%dma_wait3A_60, %dma_wait3A_61] : memref<819200x128xf32, #tpu.memory_space<hbm>> -> memref<128x128xf32, #tpu.memory_space<hbm>>
    %dma_wait3A_63 = arith.constant 0 : i32
    %dma_wait3A_64 = arith.constant 0 : i32
    %dma_wait3A_65 = tpu.memref_slice %arg6[%dma_wait3A_52, %dma_wait3A_63, %dma_wait3A_64] : memref<6x128x128xf32, #tpu.memory_space<vmem>> -> memref<1x128x128xf32, #tpu.memory_space<vmem>>
    %dma_wait3A_66 = tpu.memref_squeeze %dma_wait3A_65 : memref<1x128x128xf32, #tpu.memory_space<vmem>> -> memref<128x128xf32, #tpu.memory_space<vmem>>
    tpu.wait_dma2 semaphore(%arg16 : memref<!tpu.dma_semaphore, #tpu.memory_space<semaphore_mem>>) src(%dma_wait3A_66 : memref<128x128xf32, #tpu.memory_space<vmem>>) dst(%dma_wait3A_62 : memref<128x128xf32, #tpu.memory_space<hbm>>)
    %dma_wait3A_67 = arith.constant 4 : i32
    %dma_wait3A_68 = arith.constant 0 : i32
    %dma_wait3A_69 = arith.constant 0 : i32
    %dma_wait3A_70 = tpu.memref_slice %arg6[%dma_wait3A_67, %dma_wait3A_68, %dma_wait3A_69] : memref<6x128x128xf32, #tpu.memory_space<vmem>> -> memref<1x128x128xf32, #tpu.memory_space<vmem>>
    %dma_wait3A_71 = tpu.memref_squeeze %dma_wait3A_70 : memref<1x128x128xf32, #tpu.memory_space<vmem>> -> memref<128x128xf32, #tpu.memory_space<vmem>>
    %dma_wait3A_72 = arith.constant 0 : i32
    %dma_wait3A_73 = arith.constant 0 : i32
    %dma_wait3A_74 = tpu.memref_slice %arg4[%dma_wait3A_72, %dma_wait3A_73] : memref<819200x128xf32, #tpu.memory_space<hbm>> -> memref<128x128xf32, #tpu.memory_space<hbm>>
    %dma_wait3A_75 = arith.constant 0 : i32
    %dma_wait3A_76 = arith.constant 0 : i32
    %dma_wait3A_77 = tpu.memref_slice %arg4[%dma_wait3A_75, %dma_wait3A_76] : memref<819200x128xf32, #tpu.memory_space<hbm>> -> memref<128x128xf32, #tpu.memory_space<hbm>>
    %dma_wait3A_78 = arith.constant 0 : i32
    %dma_wait3A_79 = arith.constant 0 : i32
    %dma_wait3A_80 = tpu.memref_slice %arg6[%dma_wait3A_67, %dma_wait3A_78, %dma_wait3A_79] : memref<6x128x128xf32, #tpu.memory_space<vmem>> -> memref<1x128x128xf32, #tpu.memory_space<vmem>>
    %dma_wait3A_81 = tpu.memref_squeeze %dma_wait3A_80 : memref<1x128x128xf32, #tpu.memory_space<vmem>> -> memref<128x128xf32, #tpu.memory_space<vmem>>
    tpu.wait_dma2 semaphore(%arg17 : memref<!tpu.dma_semaphore, #tpu.memory_space<semaphore_mem>>) src(%dma_wait3A_81 : memref<128x128xf32, #tpu.memory_space<vmem>>) dst(%dma_wait3A_77 : memref<128x128xf32, #tpu.memory_space<hbm>>)
    %dma_wait3A_82 = arith.constant 5 : i32
    %dma_wait3A_83 = arith.constant 0 : i32
    %dma_wait3A_84 = arith.constant 0 : i32
    %dma_wait3A_85 = tpu.memref_slice %arg6[%dma_wait3A_82, %dma_wait3A_83, %dma_wait3A_84] : memref<6x128x128xf32, #tpu.memory_space<vmem>> -> memref<1x128x128xf32, #tpu.memory_space<vmem>>
    %dma_wait3A_86 = tpu.memref_squeeze %dma_wait3A_85 : memref<1x128x128xf32, #tpu.memory_space<vmem>> -> memref<128x128xf32, #tpu.memory_space<vmem>>
    %dma_wait3A_87 = arith.constant 0 : i32
    %dma_wait3A_88 = arith.constant 0 : i32
    %dma_wait3A_89 = tpu.memref_slice %arg4[%dma_wait3A_87, %dma_wait3A_88] : memref<819200x128xf32, #tpu.memory_space<hbm>> -> memref<128x128xf32, #tpu.memory_space<hbm>>
    %dma_wait3A_90 = arith.constant 0 : i32
    %dma_wait3A_91 = arith.constant 0 : i32
    %dma_wait3A_92 = tpu.memref_slice %arg4[%dma_wait3A_90, %dma_wait3A_91] : memref<819200x128xf32, #tpu.memory_space<hbm>> -> memref<128x128xf32, #tpu.memory_space<hbm>>
    %dma_wait3A_93 = arith.constant 0 : i32
    %dma_wait3A_94 = arith.constant 0 : i32
    %dma_wait3A_95 = tpu.memref_slice %arg6[%dma_wait3A_82, %dma_wait3A_93, %dma_wait3A_94] : memref<6x128x128xf32, #tpu.memory_space<vmem>> -> memref<1x128x128xf32, #tpu.memory_space<vmem>>
    %dma_wait3A_96 = tpu.memref_squeeze %dma_wait3A_95 : memref<1x128x128xf32, #tpu.memory_space<vmem>> -> memref<128x128xf32, #tpu.memory_space<vmem>>
    tpu.wait_dma2 semaphore(%arg18 : memref<!tpu.dma_semaphore, #tpu.memory_space<semaphore_mem>>) src(%dma_wait3A_96 : memref<128x128xf32, #tpu.memory_space<vmem>>) dst(%dma_wait3A_92 : memref<128x128xf32, #tpu.memory_space<hbm>>)
    return
  }
}

</mosaic_0001>

<sc_bundles>
// kernel: kernel.3.cloned.1.call-start
scs
__scs_entry_jumppad:
0x0: {  	(pc) =	sbr.rel $0x88, $3  }
0x1: {  	(tag) =	ssettag $0x0;
	lr =	simm.s32 $0x1  }
0x2: {  	[smem:$0x3F9F] =	sst lr;
	_ =	strace $0xD0000000  }
0x3: {  	_ = 	snop  }
0x4: {  	_ = 	snop  }
0x5: {  	_ = 	snop  }
0x6: {  	_ = 	snop  }
0x7: {  	_ = 	snop  }
__scs_overlays_trampoline_lowered:
0x8: {  	[smem:$0x3FAE] =	sst s0  }
0x9: {  	[smem:$0x3FAF] =	sst s1  }
0xa: {  	[smem:$0x3FB0] =	sst s2  }
0xb: {  	[smem:$0x3FB1] =	sst s3  }
0xc: {  	[smem:$0x3FB2] =	sst s4  }
0xd: {  	[smem:$0x3FB3] =	sst s5  }
0xe: {  	[smem:$0x3FB4] =	sst s6  }
0xf: {  	[smem:$0x3FB5] =	sst s7  }
0x10: {  	[smem:$0x3FB6] =	sst s8  }
0x11: {  	[smem:$0x3FB7] =	sst s9;
	s0 =	simm.s32 @!p0 $0x0  }
0x12: {  	s1 =	sld [smem:$0x3F9D];
	s0 =	simm.s32 @p0 $0x1  }
0x13: {  	[smem:$0x3FB8] =	sst s0;
	s0 =	simm.s32 @!p1 $0x0  }
0x14: {  	s2 =	sld [smem:$0x3F9C];
	s0 =	simm.s32 @p1 $0x1  }
0x15: {  	[smem:$0x3FB9] =	sst s0;
	s0 =	simm.s32 @!p2 $0x0  }
0x16: {  	s3 =	sld [smem:$0x3FDB];
	s0 =	simm.s32 @p2 $0x1  }
0x17: {  	s4 =	simm.s32 $0x1BF5;
	[smem:$0x3FBB] =	sst s0  }
0x18: {  	s0 =	sld [smem:$0x3F9E];
	_ =	swait.ge [sflag:s4], $0x0  }
0x19: {  	s7 =	sld [smem:$0x3F9F]  }
0x1a: {  	s8 =	sadd.s32 $0xFFFFE003, lr  }
0x1b: {  	s9 =	sadd.s32 $0xFFFFFEF7, lr;
	s5 =	simm.s32 $0xFFFFFFFF;
	p2 =	slt.u32 s8, $0xFFFFF086  }
0x1c: {  	p1 =	slt.u32 s9, $0xF7A;
	s5 =	simm.s32 @!p2 $0x0  }
0x1d: {  	s5 =	simm.s32 @p1 $0x1;
	p0 =	seq.s32 s7, s2  }
0x1e: {  	s7 =	smul.u32 @!p0 $0xF7A, s2;
	p2 =	seq.s32 @!p0 s5, $0x0  }
0x1f: {  	s9 =	smul.u32 $0xF7A, s1;
	s8 =	simm.s32 @!p0 $0x1BF5;
	p2 =	por !p2, p0  }
0x20: {  	[sflag:s8] =	ssyncset.s32 @!p0 $0xFFFFF086;
	s6 =	sadd.s32 @!p0 s3, s7;
	s7 =	simm.s32 @!p0 $0x108  }
0x21: {  	s3 =	sadd.s32 s3, s9;
	s6 =	sadd.s32 @!p0 $0x88, s6;
	s7 =	simm.s32 @p2 $0x1082  }
0x22: {  	[simem:s7], [sflag:s8] =	dma.local @!p0 [hbm:s6], $0xF7A  }
0x23: {  	s9 =	sor.u32 $0xD0000000, s2;
	s6 =	simm.s32 $0x108;
	_ =	swait.ge @!p0 [sflag:s8], $0x0  }
0x24: {  	s3 =	sadd.s32 $0x88, s3;
	s6 =	simm.s32 @!p1 $0x1082;
	[sflag:s4] =	ssyncset.s32 $0xFFFFF086  }
0x25: {  	[simem:s6], [sflag:s4] =	dma.local [hbm:s3], $0xF7A  }
0x26: {  	[smem:$0x3F9F] =	sst s1;
	(tag) =	ssettag s2;
	_ =	strace s9  }
0x27: {  	s1 =	sld [smem:$0x3FAF]  }
0x28: {  	s2 =	sld [smem:$0x3FB0]  }
0x29: {  	s4 =	sld [smem:$0x3FB2]  }
0x2a: {  	p0 =	seq.s32 s5, $0x0;
	s5 =	sld [smem:$0x3FB3]  }
0x2b: {  	s6 =	sld [smem:$0x3FB4]  }
0x2c: {  	s7 =	sld [smem:$0x3FB5]  }
0x2d: {  	s3 =	simm.s32 $0x108;
	s8 =	sld [smem:$0x3FB6]  }
0x2e: {  	s3 =	simm.s32 @!p0 $0x1082;
	s9 =	sld [smem:$0x3FB7]  }
0x2f: {  	lr =	sadd.s32 s0, s3;
	s0 =	sld [smem:$0x3FAE]  }
0x30: {  	s3 =	sld [smem:$0x3FB1]  }
0x31: {  	[smem:$0x3FBA] =	sst s10  }
0x32: {  	s10 =	sld [smem:$0x3FB8];
	_ =	sdelay $0x3  }
0x33: {  	p0 =	seq.s32 s10, $0x1;
	s10 =	sld [smem:$0x3FBA];
	_ =	sdelay $0x3  }
0x34: {  	[smem:$0x3FBA] =	sst s10  }
0x35: {  	s10 =	sld [smem:$0x3FB9];
	_ =	sdelay $0x3  }
0x36: {  	p1 =	seq.s32 s10, $0x1;
	s10 =	sld [smem:$0x3FBA];
	_ =	sdelay $0x3  }
0x37: {  	[smem:$0x3FBA] =	sst s10  }
0x38: {  	s10 =	sld [smem:$0x3FBB]  }
0x39: {  	_ = 	snop;
	(pc) =	sbr.ind lr, $3  }
0x3a: {  	_ = 	snop  }
0x3b: {  	_ = 	snop  }
0x3c: {  	p2 =	seq.s32 s10, $0x1;
	s10 =	sld [smem:$0x3FBA]  }
0x3d: {  	_ =	shalt  }
0x3e: {  	_ =	shalt  }
0x3f: {  	_ =	shalt  }
0x40: {  	_ =	shalt  }
0x41: {  	_ =	shalt  }
0x42: {  	_ =	shalt  }
0x43: {  	_ =	shalt  }
0x44: {  	_ =	shalt  }
0x45: {  	_ =	shalt  }
0x46: {  	_ =	shalt  }
0x47: {  	_ =	shalt  }
0x48: {  	_ =	shalt  }
0x49: {  	_ =	shalt  }
0x4a: {  	_ =	shalt  }
0x4b: {  	_ =	shalt  }
0x4c: {  	_ =	shalt  }
0x4d: {  	_ =	shalt  }
0x4e: {  	_ =	shalt  }
0x4f: {  	_ =	shalt  }
0x50: {  	_ =	shalt  }
0x51: {  	_ =	shalt  }
0x52: {  	_ =	shalt  }
0x53: {  	_ =	shalt  }
0x54: {  	_ =	shalt  }
0x55: {  	_ =	shalt  }
0x56: {  	_ =	shalt  }
0x57: {  	_ =	shalt  }
0x58: {  	_ =	shalt  }
0x59: {  	_ =	shalt  }
0x5a: {  	_ =	shalt  }
0x5b: {  	_ =	shalt  }
0x5c: {  	_ =	shalt  }
0x5d: {  	_ =	shalt  }
0x5e: {  	_ =	shalt  }
0x5f: {  	_ =	shalt  }
0x60: {  	_ =	shalt  }
0x61: {  	_ =	shalt  }
0x62: {  	_ =	shalt  }
0x63: {  	_ =	shalt  }
0x64: {  	_ =	shalt  }
0x65: {  	_ =	shalt  }
0x66: {  	_ =	shalt  }
0x67: {  	_ =	shalt  }
0x68: {  	_ =	shalt  }
0x69: {  	_ =	shalt  }
0x6a: {  	_ =	shalt  }
0x6b: {  	_ =	shalt  }
0x6c: {  	_ =	shalt  }
0x6d: {  	_ =	shalt  }
0x6e: {  	_ =	shalt  }
0x6f: {  	_ =	shalt  }
0x70: {  	_ =	shalt  }
0x71: {  	_ =	shalt  }
0x72: {  	_ =	shalt  }
0x73: {  	_ =	shalt  }
0x74: {  	_ =	shalt  }
0x75: {  	_ =	shalt  }
0x76: {  	_ =	shalt  }
0x77: {  	_ =	shalt  }
0x78: {  	_ =	shalt  }
0x79: {  	_ =	shalt  }
0x7a: {  	_ =	shalt  }
0x7b: {  	_ =	shalt  }
0x7c: {  	_ =	shalt  }
0x7d: {  	_ =	shalt  }
0x7e: {  	_ =	shalt  }
0x7f: {  	_ =	shalt  }
0x80: {  	_ =	shalt  }
0x81: {  	_ =	shalt  }
0x82: {  	_ =	shalt  }
0x83: {  	_ =	shalt  }
0x84: {  	_ =	shalt  }
0x85: {  	_ =	shalt  }
0x86: {  	_ =	shalt  }
0x87: {  	_ =	shalt  }
.Lfunc_end0:
.L_simem_size_0:
called_computation_lowered:
.L_overlay_start_0:
0x88: {  	s2 =	sld [smem:$0x3FD9]  }
0x89: {  	s3 =	sld [smem:$0x3FFE];
	_ =	sdelay $0x1  }
0x8a: {  	s1 =	srdreg.scid  }
0x8b: {  	s0 =	sand.u32 $0x1, s1  }
0x8c: {  	s17 =	sshll.u32 s0, $0xA;
	s2 =	sadd.s32 s3, s2  }
0x8d: {  	s2 =	sadd.s32 s2, s17  }
0x8e: {  	[smem:$0x3FC6] =	sst s2  }
0x8f: {  	_ = 	snop  }
0x90: {  	s2 =	sld [smem:$0x3FC8]  }
0x91: {  	s18 =	sld [smem:$0x3FD0];
	(tm) =	ssettm $0x1  }
0x92: {  	s4 =	sld [smem:$0x3FFB];
	_ =	sdelay $0x3  }
0x93: {  	_ =	strace s4  }
0x94: {  	s4 =	sld [smem:$0x3FFC];
	_ =	sdelay $0x3  }
0x95: {  	_ =	strace s4  }
0x96: {  	s4 =	sld [smem:$0x3FFD];
	_ =	sdelay $0x3  }
0x97: {  	_ =	strace s4  }
0x98: {  	_ =	strace $0x8FFFFFFF  }
0x99: {  	s19 =	sld [smem:$0x3FDB];
	_ =	sdelay $0x1  }
0x9a: {  	s5 =	simm.s32 $_scs_section_size  }
0x9b: {  	s6 =	simm.s32 $_size__tile_overlayer_lowered;
	s7 =	simm.s32 $_tile_overlayer_lowered  }
0x9c: {  	s22 =	simm.s32 $0x1BFF;
	s21 =	sshll.u32 s7, $0x1;
	s4 =	sadd.s32 s5, s19  }
0x9d: {  	s8 =	simm.s32 $0x0;
	s20 =	sshll.u32 s6, $0x1;
	s6 =	sadd.s32 s21, s4  }
0x9e: {  	[timem:s8], [sflag:s22] =	dma.local [hbm:s6], s20  }
0x9f: {  	_ =	swait.ge [sflag:s22], s20  }
0xa0: {  	s5 =	ssub.s32 $0x0, s20;
	[sflag:s22] =	ssyncset.done $0x0  }
0xa1: {  	[sflag:s22] =	ssyncadd.s32 s5;
	_ =	sdelay $0x1  }
0xa2: {  	s23 =	simm.s32 $0x1B8B  }
0xa3: {  	_ =	swait.ge [sflag:s23], $0x1  }
0xa4: {  	[sflag:s23] =	ssyncset.done $0x0  }
0xa5: {  	s25 =	simm.s32 $0x1B8E;
	s24 =	sld [smem:$0x3FFE];
	[sflag:s23] =	ssyncadd.s32 $0xFFFFFFFF  }
0xa6: {  	s26 =	simm.s32 $execute0_lowered;
	[smem:$0x3FD2] =	sst s25  }
0xa7: {  	s6 =	sshll.u32 s26, $0x1;
	_ =	strace $0x80000046;
	[dreg:$0x1] =	wrdreg $0xFFFFFFFF  }
0xa8: {  	s28 =	simm.s32 $_size_execute0_lowered;
	s4 =	sadd.s32 s4, s6;
	[dreg:$0x0] =	wrdreg $0x0  }
0xa9: {  	s6 =	sshll.u32 s28, $0x1;
	[dreg:$0x2] =	wrdreg s4  }
0xaa: {  	[dreg:$0x3] =	wrdreg s6  }
0xab: {  	[dreg:$0x4] =	wrdreg $0xC0  }
0xac: {  	_ =	task [dreg:s8], $0x5FFFF  }
0xad: {  	[dreg:$0x1] =	wrdreg $0xFFFFFFFF  }
0xae: {  	[dreg:$0x0] =	wrdreg $0x60  }
0xaf: {  	[dreg:$0x2] =	wrdreg s24  }
0xb0: {  	[dreg:$0x3] =	wrdreg s2  }
0xb1: {  	[dreg:$0x4] =	wrdreg s18  }
0xb2: {  	[dreg:$0x5] =	wrdreg $0x9  }
0xb3: {  	_ =	task.clear_ibuf [dreg:s8], $0x6FFFF;
	_ =	strace $0x90000046  }
0xb4: {  	s29 =	simm.s32 $0x9;
	_ =	strace $0x80000048  }
0xb5: {  	_ =	swait.ge [sflag:s29], $0x1  }
0xb6: {  	[sflag:s29] =	ssyncadd.s32 $0xFFFFFFFF  }
0xb7: {  	_ =	strace $0x90000048  }
0xb8: {  	_ =	sfence  }
0xb9: {  	s30 =	sld [smem:$0x0];
	_ =	sdelay $0x2  }
0xba: {  	s31 =	sshll.u32 s1, $0xD;
	s1 =	sshrl.u32 s1, $0x2  }
0xbb: {  	s3 =	sand.u32 $0x4000, s31;
	s1 =	sadd.s32 s1, s30  }
0xbc: {  	s0 =	sor.u32 s3, s0;
	s1 =	sshll.u32 s1, $0x11  }
0xbd: {  	s0 =	sor.u32 s1, s0  }
0xbe: {  	s0 =	sadd.s32 $0x8F2B, s0  }
0xbf: {  	[sflag:s0] =	ssyncadd.remote.s32 $0x1  }
0xc0: {  	_ =	sfence.sel $0xFFFF  }
0xc1: {  	[dreg:$0x0] =	wrdreg $0xFFFFFFFF;
	(pc) =	sbr.abs _section_cstart, $3  }
0xc2: {  	[dreg:$0x1] =	wrdreg $0xFFFFFFFF  }
0xc3: {  	_ =	task.clear_ibuf [dreg:s8], $0x2FFFF;
	_ =	strace $0x9FFFFFFF  }
0xc4: {  	(tm) =	ssettm $0x7FFFFFFF  }
0xc5: {  	_ =	shalt  }
tec
execute0_lowered:
.L_overlay_start_1:
0x0: {  	(tag) =	ssettag $0x1  }
0x1: {  	s0 =	srdreg.scid  }
0x2: {  	s2 =	stileid.u32;
	s1 =	rddreg [dreg:$0x0]  }
0x3: {  	s5 =	simm.s32 $0x0;
	s12 =	simm.s32 $0x80;
	s13 =	simm.s32 $0x6400  }
0x4: {  	s14 =	simm.s32 $0xA400;
	s16 =	simm.s32 $0xE400;
	s17 =	simm.s32 $0x12400  }
0x5: {  	s18 =	simm.s32 $0x1;
	s19 =	simm.s32 $0x16400;
	s20 =	simm.s32 $0x2  }
0x6: {  	s21 =	simm.s32 $0x1A400;
	s22 =	simm.s32 $0x3;
	s23 =	simm.s32 $0x7  }
0x7: {  	s24 =	simm.s32 $0x8;
	s0 =	sand.u32 $0x1, s0;
	s3 =	sshll.u32 s2, $0x1  }
0x8: {  	s29 =	simm.s32 $0xC;
	s30 =	simm.s32 $0x4;
	s6 =	sor.u32 s0, s3  }
0x9: {  	s31 =	simm.s32 $0x5;
	s2 =	rddreg [dreg:$0x1];
	s4 =	smul.u32 $0x6400, s6  }
0xa: {  	[smem:$0x7FF] =	sst s5;
	s0 =	ssub.s32 $0x2, s0;
	s6 =	smul.u32 $0x320000, s6  }
.Ltmp0:
0xb: {  	s3 =	rddreg [dreg:$0x2];
	s8 =	sshrl.u32 s0, $0x1;
	(pc) =	sbr.rel .LBB2_1-.Ltmp0, $4  }
0xc: {  	_ =	strace $0x80000047;
	s0 =	ssub.s32 s0, s8;
	s7 =	sshrl.u32 s4, $0x3  }
0xd: {  	s0 =	smax.u32 s0, $0x1;
	s9 =	sadd.s32 $0xFFFF4000, s6;
	s1 =	sadd.s32 s7, s1  }
0xe: {  	s10 =	sadd.s32 $0xFFFF8000, s6;
	[dreg:$0x5] =	wrdreg s0;
	s1 =	sadd.s32 $0x400, s1  }
0xf: {  	s7 =	simm.s32 $0x0;
	[dreg:$0x4] =	wrdreg s1;
	s1 =	simm.s32 $0x6  }
.LBB2_26:
0x10: {  	_ =	swait.ge [sflag:s23], $0x4000  }
0x11: {  	[sflag:s23] =	ssyncset.done $0x0  }
0x12: {  	[sflag:s23] =	ssyncadd.s32 $0xFFFFC000  }
0x13: {  	_ =	swait.ge [sflag:s24], $0x4000  }
0x14: {  	[sflag:s24] =	ssyncset.done $0x0  }
0x15: {  	s0 =	simm.s32 $0x9;
	[sflag:s24] =	ssyncadd.s32 $0xFFFFC000  }
0x16: {  	_ =	swait.ge [sflag:s0], $0x4000  }
0x17: {  	[sflag:s0] =	ssyncset.done $0x0  }
0x18: {  	s25 =	simm.s32 $0xA;
	[sflag:s0] =	ssyncadd.s32 $0xFFFFC000  }
0x19: {  	_ =	swait.ge [sflag:s25], $0x4000  }
0x1a: {  	[sflag:s25] =	ssyncset.done $0x0  }
0x1b: {  	s26 =	simm.s32 $0xB;
	[sflag:s25] =	ssyncadd.s32 $0xFFFFC000  }
0x1c: {  	_ =	swait.ge [sflag:s26], $0x4000  }
0x1d: {  	[sflag:s26] =	ssyncset.done $0x0  }
0x1e: {  	[sflag:s26] =	ssyncadd.s32 $0xFFFFC000  }
0x1f: {  	_ =	swait.ge [sflag:s29], $0x4000  }
0x20: {  	s7 =	rddreg [dreg:$0x6]  }
0x21: {  	s28 =	rddreg [dreg:$0x5];
	s7 =	sadd.s32 $0x1, s7  }
0x22: {  	p0 =	sne.s32 s7, s28  }
.Ltmp1:
0x23: {  	_ = 	snop;
	(pc) =	sbr.rel @!p0 .LBB2_27-.Ltmp1, $3  }
0x24: {  	_ =	sdelay $0x1  }
0x25: {  	[sflag:s29] =	ssyncset.done $0x0  }
0x26: {  	[sflag:s29] =	ssyncadd.s32 $0xFFFFC000  }
.LBB2_1:
0x27: {  	[dreg:$0x6] =	wrdreg s7  }
0x28: {  	s0 =	rddreg [dreg:$0x4];
	s28 =	simm.s32 $0xD  }
0x29: {  	[tilespmem:s5], [sflag:$0xD] =	stream.linear.gather [hbm4b:s0+s5], $0x6400, $0x38;
	[tilespmem:$0x1E400] =	vst v63  }
0x2a: {  	_ =	swait.ge [sflag:s28], $0x6400  }
0x2b: {  	[sflag:s28] =	ssyncset.done $0x0  }
0x2c: {  	s7 =	simm.s32 $0x0;
	[sflag:s28] =	ssyncadd.s32 $0xFFFF9C00  }
.LBB2_2:
0x2d: {  	p0 =	seq.s32 s7, $0x0  }
.Ltmp2:
0x2e: {  	_ = 	snop;
	(pc) =	sbr.rel @p0 .LBB2_28-.Ltmp2, $1  }
0x2f: {  	_ =	sdelay $0x3  }
0x30: {  	_ =	swait.ge [sflag:s23], $0x4000;
	s0 =	smul.u32 $0xC00, s7  }
0x31: {  	[sflag:s23] =	ssyncset.done $0x0  }
0x32: {  	[sflag:s23] =	ssyncadd.s32 $0xFFFFC000;
	s8 =	sshra.s32 s0, $0x2  }
0x33: {  	[tilespmem:s13], [sflag:$0x1] =	stream.indirect.gather [hbm4b:s2+s12], $0x80, s8, s12, $0xb8;
	[tilespmem:$0x1E400] =	vst v63  }
0x34: {  	_ =	swait.ge [sflag:s30], $0x4000  }
0x35: {  	[sflag:s30] =	ssyncset.done $0x0  }
0x36: {  	s25 =	simm.s32 $0x0;
	[sflag:s30] =	ssyncadd.s32 $0xFFFFC000  }
0x37: {  	v3 =	vld [tilespmem:s25+$0x12400]  }
0x38: {  	v5 =	vld [tilespmem:s25+$0x12410]  }
0x39: {  	v4 =	vld [tilespmem:s25+$0x12420]  }
0x3a: {  	v2 =	vld [tilespmem:s25+$0x12430]  }
0x3b: {  	v0 =	vld [tilespmem:s25+$0x12440]  }
0x3c: {  	v1 =	vld [tilespmem:s25+$0x12450];
	v6 =	vmul.f32 $1.131370830e+01, v3  }
0x3d: {  	s11 =	smul.u32 $0x6, s7;
	s0 =	simm.s32 $0x200;
	v5 =	vmul.f32 $1.131370830e+01, v5;
	v3 =	vld [tilespmem:s25+$0x12460]  }
.LBB2_4:
0x3e: {  	s15 =	sshra.s32 s0, $0x2;
	p1 =	sne.s32 s0, $0xFE00;
	[tilespmem:s25+$0x12400] =	vst v6;
	v4 =	vmul.f32 $1.131370830e+01, v4;
	v6 =	vld [tilespmem:s25+$0x12470]  }
0x3f: {  	v7 =	vld [tilespmem:s15+$0x12400];
	[tilespmem:s25+$0x12410] =	vst v5;
	v2 =	vmul.f32 $1.131370830e+01, v2  }
0x40: {  	v5 =	vld [tilespmem:s15+$0x12410];
	[tilespmem:s25+$0x12420] =	vst v4;
	v0 =	vmul.f32 $1.131370830e+01, v0  }
.Ltmp3:
0x41: {  	v4 =	vld [tilespmem:s15+$0x12420];
	[tilespmem:s25+$0x12430] =	vst v2;
	v1 =	vmul.f32 $1.131370830e+01, v1;
	(pc) =	sbr.rel @p1 .LBB2_4-.Ltmp3, $4  }
0x42: {  	v2 =	vld [tilespmem:s15+$0x12430];
	[tilespmem:s25+$0x12440] =	vst v0;
	v3 =	vmul.f32 $1.131370830e+01, v3  }
0x43: {  	v0 =	vld [tilespmem:s15+$0x12440];
	[tilespmem:s25+$0x12450] =	vst v1;
	v8 =	vmul.f32 $1.131370830e+01, v6  }
0x44: {  	v6 =	vmul.f32 $1.131370830e+01, v7;
	v1 =	vld [tilespmem:s15+$0x12450];
	[tilespmem:s25+$0x12460] =	vst v3  }
0x45: {  	s0 =	sadd.s32 $0x200, s0;
	v5 =	vmul.f32 $1.131370830e+01, v5;
	v3 =	vld [tilespmem:s15+$0x12460];
	[tilespmem:s25+$0x12470] =	vst v8;
	s25 =	smov.u32 s15  }
0x46: {  	[tilespmem:s25+$0x12400] =	vst v6;
	v4 =	vmul.f32 $1.131370830e+01, v4;
	v6 =	vld [tilespmem:s25+$0x12470]  }
0x47: {  	[tilespmem:s25+$0x12410] =	vst v5;
	v2 =	vmul.f32 $1.131370830e+01, v2  }
0x48: {  	[tilespmem:s25+$0x12420] =	vst v4;
	v0 =	vmul.f32 $1.131370830e+01, v0  }
0x49: {  	s0 =	smul.u32 $0x18000, s7;
	[tilespmem:s25+$0x12430] =	vst v2;
	v1 =	vmul.f32 $1.131370830e+01, v1  }
0x4a: {  	[tilespmem:s25+$0x12440] =	vst v0;
	v0 =	vmul.f32 $1.131370830e+01, v3  }
0x4b: {  	s15 =	sadd.s32 s9, s0;
	[tilespmem:s25+$0x12450] =	vst v1;
	v1 =	vmul.f32 $1.131370830e+01, v6  }
0x4c: {  	s15 =	sshrl.u32 s15, $0x3;
	[tilespmem:s25+$0x12460] =	vst v0  }
0x4d: {  	s26 =	simm.s32 $0x0;
	s15 =	sadd.s32 s3, s15;
	[tilespmem:s25+$0x12470] =	vst v1  }
0x4e: {  	[hbm4b:s15+s26] =	stream.linear.scatter [tilespmem:s17], [sflag:$0xA], $0x4000, $0x38;
	[tilespmem:$0x1E400] =	vst v63  }
0x4f: {  	s25 =	sor.u32 $0x1, s11;
	_ =	swait.ge [sflag:s24], $0x4000  }
0x50: {  	s28 =	sshll.u32 s25, $0x7;
	[sflag:s24] =	ssyncset.done $0x0  }
0x51: {  	s15 =	sand.u32 $0x3FFFFF80, s28;
	[sflag:s24] =	ssyncadd.s32 $0xFFFFC000  }
0x52: {  	[tilespmem:s14], [sflag:$0x2] =	stream.indirect.gather [hbm4b:s2+s12], $0x80, s15, s12, $0xb8;
	[tilespmem:$0x1E400] =	vst v63  }
0x53: {  	_ =	swait.ge [sflag:s31], $0x4000  }
0x54: {  	[sflag:s31] =	ssyncset.done $0x0  }
0x55: {  	s15 =	simm.s32 $0x0;
	[sflag:s31] =	ssyncadd.s32 $0xFFFFC000  }
0x56: {  	v3 =	vld [tilespmem:s15+$0x16400]  }
0x57: {  	v5 =	vld [tilespmem:s15+$0x16410]  }
0x58: {  	v4 =	vld [tilespmem:s15+$0x16420]  }
0x59: {  	v2 =	vld [tilespmem:s15+$0x16430]  }
0x5a: {  	v0 =	vld [tilespmem:s15+$0x16440]  }
0x5b: {  	v1 =	vld [tilespmem:s15+$0x16450];
	v6 =	vmul.f32 $1.131370830e+01, v3  }
0x5c: {  	s26 =	simm.s32 $0x200;
	v5 =	vmul.f32 $1.131370830e+01, v5;
	v3 =	vld [tilespmem:s15+$0x16460]  }
.LBB2_6:
0x5d: {  	s28 =	sshra.s32 s26, $0x2;
	p1 =	sne.s32 s26, $0xFE00;
	[tilespmem:s15+$0x16400] =	vst v6;
	v4 =	vmul.f32 $1.131370830e+01, v4;
	v6 =	vld [tilespmem:s15+$0x16470]  }
0x5e: {  	v7 =	vld [tilespmem:s28+$0x16400];
	[tilespmem:s15+$0x16410] =	vst v5;
	v2 =	vmul.f32 $1.131370830e+01, v2  }
0x5f: {  	v5 =	vld [tilespmem:s28+$0x16410];
	[tilespmem:s15+$0x16420] =	vst v4;
	v0 =	vmul.f32 $1.131370830e+01, v0  }
.Ltmp4:
0x60: {  	v4 =	vld [tilespmem:s28+$0x16420];
	[tilespmem:s15+$0x16430] =	vst v2;
	v1 =	vmul.f32 $1.131370830e+01, v1;
	(pc) =	sbr.rel @p1 .LBB2_6-.Ltmp4, $4  }
0x61: {  	v2 =	vld [tilespmem:s28+$0x16430];
	[tilespmem:s15+$0x16440] =	vst v0;
	v3 =	vmul.f32 $1.131370830e+01, v3  }
0x62: {  	v0 =	vld [tilespmem:s28+$0x16440];
	[tilespmem:s15+$0x16450] =	vst v1;
	v8 =	vmul.f32 $1.131370830e+01, v6  }
0x63: {  	v6 =	vmul.f32 $1.131370830e+01, v7;
	v1 =	vld [tilespmem:s28+$0x16450];
	[tilespmem:s15+$0x16460] =	vst v3  }
0x64: {  	s26 =	sadd.s32 $0x200, s26;
	v5 =	vmul.f32 $1.131370830e+01, v5;
	v3 =	vld [tilespmem:s28+$0x16460];
	[tilespmem:s15+$0x16470] =	vst v8;
	s15 =	smov.u32 s28  }
0x65: {  	[tilespmem:s15+$0x16400] =	vst v6;
	v4 =	vmul.f32 $1.131370830e+01, v4;
	v6 =	vld [tilespmem:s15+$0x16470]  }
0x66: {  	[tilespmem:s15+$0x16410] =	vst v5;
	v2 =	vmul.f32 $1.131370830e+01, v2  }
0x67: {  	[tilespmem:s15+$0x16420] =	vst v4;
	v0 =	vmul.f32 $1.131370830e+01, v0  }
0x68: {  	[tilespmem:s15+$0x16430] =	vst v2;
	v1 =	vmul.f32 $1.131370830e+01, v1  }
0x69: {  	[tilespmem:s15+$0x16440] =	vst v0;
	v0 =	vmul.f32 $1.131370830e+01, v3  }
0x6a: {  	s26 =	sadd.s32 s10, s0;
	[tilespmem:s15+$0x16450] =	vst v1;
	v1 =	vmul.f32 $1.131370830e+01, v6  }
0x6b: {  	p1 =	seq.s32 s7, $0x21;
	s26 =	sshrl.u32 s26, $0x3;
	[tilespmem:s15+$0x16460] =	vst v0  }
0x6c: {  	s28 =	sadd.s32 s3, s26;
	[tilespmem:s15+$0x16470] =	vst v1;
	s15 =	simm.s32 @!p1 $0x9  }
0x6d: {  	[hbm4b:s28+s5] =	stream.linear.scatter [tilespmem:s19], [sflag:$0xB], $0x4000, $0x38;
	[tilespmem:$0x1E400] =	vst v63  }
0x6e: {  	_ =	swait.ge @!p1 [sflag:s15], $0x4000  }
0x6f: {  	s11 =	sadd.s32 $0x2, s11;
	[sflag:s15] =	ssyncset.done @!p1 $0x0  }
0x70: {  	[sflag:s15] =	ssyncadd.s32 @!p1 $0xFFFFC000;
	s15 =	sshll.u32 @!p1 s11, $0x7  }
0x71: {  	s26 =	simm.s32 @!p1 $0x80;
	s28 =	simm.s32 @!p1 $0xE400;
	s15 =	sand.u32 @!p1 $0x3FFFFF80, s15  }
0x72: {  	[tilespmem:s28], [sflag:$0x3] =	stream.indirect.gather @!p1 [hbm4b:s2+s26], $0x80, s15, s26, $0xb8;
	[tilespmem:$0x1E400] =	vst v63  }
0x73: {  	_ =	swait.ge [sflag:s1], $0x4000  }
0x74: {  	[sflag:s1] =	ssyncset.done $0x0  }
0x75: {  	s15 =	simm.s32 $0x0;
	[sflag:s1] =	ssyncadd.s32 $0xFFFFC000  }
0x76: {  	v3 =	vld [tilespmem:s15+$0x1A400]  }
0x77: {  	v5 =	vld [tilespmem:s15+$0x1A410]  }
0x78: {  	v4 =	vld [tilespmem:s15+$0x1A420]  }
0x79: {  	v2 =	vld [tilespmem:s15+$0x1A430]  }
0x7a: {  	v0 =	vld [tilespmem:s15+$0x1A440]  }
0x7b: {  	s0 =	sadd.s32 @!p1 $0xFFFFC000, s0;
	v1 =	vld [tilespmem:s15+$0x1A450];
	v6 =	vmul.f32 $1.131370830e+01, v3  }
0x7c: {  	s0 =	simm.s32 @p1 $0x314000;
	s26 =	simm.s32 $0x200;
	v5 =	vmul.f32 $1.131370830e+01, v5;
	v3 =	vld [tilespmem:s15+$0x1A460]  }
.LBB2_8:
0x7d: {  	s28 =	sshra.s32 s26, $0x2;
	p2 =	sne.s32 s26, $0xFE00;
	[tilespmem:s15+$0x1A400] =	vst v6;
	v4 =	vmul.f32 $1.131370830e+01, v4;
	v6 =	vld [tilespmem:s15+$0x1A470]  }
0x7e: {  	v7 =	vld [tilespmem:s28+$0x1A400];
	[tilespmem:s15+$0x1A410] =	vst v5;
	v2 =	vmul.f32 $1.131370830e+01, v2  }
0x7f: {  	v5 =	vld [tilespmem:s28+$0x1A410];
	[tilespmem:s15+$0x1A420] =	vst v4;
	v0 =	vmul.f32 $1.131370830e+01, v0  }
.Ltmp5:
0x80: {  	v4 =	vld [tilespmem:s28+$0x1A420];
	[tilespmem:s15+$0x1A430] =	vst v2;
	v1 =	vmul.f32 $1.131370830e+01, v1;
	(pc) =	sbr.rel @p2 .LBB2_8-.Ltmp5, $4  }
0x81: {  	v2 =	vld [tilespmem:s28+$0x1A430];
	[tilespmem:s15+$0x1A440] =	vst v0;
	v3 =	vmul.f32 $1.131370830e+01, v3  }
0x82: {  	v0 =	vld [tilespmem:s28+$0x1A440];
	[tilespmem:s15+$0x1A450] =	vst v1;
	v8 =	vmul.f32 $1.131370830e+01, v6  }
0x83: {  	v6 =	vmul.f32 $1.131370830e+01, v7;
	v1 =	vld [tilespmem:s28+$0x1A450];
	[tilespmem:s15+$0x1A460] =	vst v3  }
0x84: {  	s26 =	sadd.s32 $0x200, s26;
	v5 =	vmul.f32 $1.131370830e+01, v5;
	v3 =	vld [tilespmem:s28+$0x1A460];
	[tilespmem:s15+$0x1A470] =	vst v8;
	s15 =	smov.u32 s28  }
0x85: {  	[tilespmem:s15+$0x1A400] =	vst v6;
	v4 =	vmul.f32 $1.131370830e+01, v4;
	v61 =	vld [tilespmem:s15+$0x1A470]  }
0x86: {  	[tilespmem:s15+$0x1A410] =	vst v5;
	v2 =	vmul.f32 $1.131370830e+01, v2  }
0x87: {  	[tilespmem:s15+$0x1A420] =	vst v4;
	v0 =	vmul.f32 $1.131370830e+01, v0  }
0x88: {  	[tilespmem:s15+$0x1A430] =	vst v2;
	v1 =	vmul.f32 $1.131370830e+01, v1  }
.Ltmp6:
0x89: {  	[tilespmem:s15+$0x1A440] =	vst v0;
	v62 =	vmul.f32 $1.131370830e+01, v3;
	(pc) =	sbr.rel @p1 .LBB2_12-.Ltmp6, $4  }
0x8a: {  	s0 =	sadd.s32 s6, s0;
	[tilespmem:s15+$0x1A450] =	vst v1;
	v63 =	vmul.f32 $1.131370830e+01, v61  }
0x8b: {  	s0 =	sshrl.u32 s0, $0x3;
	[tilespmem:s15+$0x1A460] =	vst v62  }
0x8c: {  	s0 =	sadd.s32 s3, s0;
	[tilespmem:s15+$0x1A470] =	vst v63  }
0x8d: {  	[hbm4b:s0+s5] =	stream.linear.scatter [tilespmem:s21], [sflag:$0xC], $0x4000, $0x38;
	[tilespmem:$0x1E400] =	vst v63  }
.Ltmp7:
0x8e: {  	(pc) =	sbr.rel .LBB2_11-.Ltmp7, $4  }
0x8f: {  	s0 =	simm.s32 $0xA  }
0x90: {  	_ =	swait.ge [sflag:s0], $0x4000  }
0x91: {  	[sflag:s0] =	ssyncset.done $0x0  }
0x92: {  	[sflag:s0] =	ssyncadd.s32 $0xFFFFC000  }
.LBB2_28:
0x93: {  	s8 =	simm.s32 $0x0  }
0x94: {  	[tilespmem:s13], [sflag:$0x1] =	stream.indirect.gather [hbm4b:s2+s12], $0x80, s8, s12, $0xb8;
	[tilespmem:$0x1E400] =	vst v63  }
0x95: {  	_ = 	snop  }
0x96: {  	[tilespmem:s14], [sflag:$0x2] =	stream.indirect.gather [hbm4b:s2+s12], $0x80, s12, s12, $0xb8;
	[tilespmem:$0x1E400] =	vst v63  }
0x97: {  	s0 =	simm.s32 $0x100;
	s25 =	simm.s32 $0x1;
	s11 =	simm.s32 $0x2  }
0x98: {  	[tilespmem:s16], [sflag:$0x3] =	stream.indirect.gather [hbm4b:s2+s12], $0x80, s0, s12, $0xb8;
	[tilespmem:$0x1E400] =	vst v63  }
.LBB2_11:
0x99: {  	s0 =	sadd.s32 $0x180, s8  }
0x9a: {  	[tilespmem:s17], [sflag:$0x4] =	stream.indirect.gather [hbm4b:s2+s12], $0x80, s0, s12, $0xb8;
	[tilespmem:$0x1E400] =	vst v63  }
.LBB2_12:
0x9b: {  	_ =	swait.ge [sflag:s18], $0x4000  }
0x9c: {  	[sflag:s18] =	ssyncset.done $0x0  }
0x9d: {  	s0 =	simm.s32 $0x0;
	[sflag:s18] =	ssyncadd.s32 $0xFFFFC000  }
0x9e: {  	v2 =	vld [tilespmem:s0+$0x6400]  }
0x9f: {  	v5 =	vld [tilespmem:s0+$0x6410]  }
0xa0: {  	v4 =	vld [tilespmem:s0+$0x6420]  }
0xa1: {  	v3 =	vld [tilespmem:s0+$0x6430]  }
0xa2: {  	v0 =	vld [tilespmem:s0+$0x6440]  }
0xa3: {  	v1 =	vld [tilespmem:s0+$0x6450];
	v6 =	vmul.f32 $1.131370830e+01, v2  }
0xa4: {  	s15 =	simm.s32 $0x200;
	v5 =	vmul.f32 $1.131370830e+01, v5;
	v2 =	vld [tilespmem:s0+$0x6460]  }
.LBB2_13:
0xa5: {  	s26 =	sshra.s32 s15, $0x2;
	p1 =	sne.s32 s15, $0xFE00;
	[tilespmem:s0+$0x6400] =	vst v6;
	v4 =	vmul.f32 $1.131370830e+01, v4;
	v6 =	vld [tilespmem:s0+$0x6470]  }
0xa6: {  	v7 =	vld [tilespmem:s26+$0x6400];
	[tilespmem:s0+$0x6410] =	vst v5;
	v3 =	vmul.f32 $1.131370830e+01, v3  }
0xa7: {  	v5 =	vld [tilespmem:s26+$0x6410];
	[tilespmem:s0+$0x6420] =	vst v4;
	v0 =	vmul.f32 $1.131370830e+01, v0  }
.Ltmp8:
0xa8: {  	v4 =	vld [tilespmem:s26+$0x6420];
	[tilespmem:s0+$0x6430] =	vst v3;
	v1 =	vmul.f32 $1.131370830e+01, v1;
	(pc) =	sbr.rel @p1 .LBB2_13-.Ltmp8, $4  }
0xa9: {  	v3 =	vld [tilespmem:s26+$0x6430];
	[tilespmem:s0+$0x6440] =	vst v0;
	v2 =	vmul.f32 $1.131370830e+01, v2  }
0xaa: {  	v0 =	vld [tilespmem:s26+$0x6440];
	[tilespmem:s0+$0x6450] =	vst v1;
	v8 =	vmul.f32 $1.131370830e+01, v6  }
0xab: {  	v6 =	vmul.f32 $1.131370830e+01, v7;
	v1 =	vld [tilespmem:s26+$0x6450];
	[tilespmem:s0+$0x6460] =	vst v2  }
0xac: {  	s15 =	sadd.s32 $0x200, s15;
	v5 =	vmul.f32 $1.131370830e+01, v5;
	v2 =	vld [tilespmem:s26+$0x6460];
	[tilespmem:s0+$0x6470] =	vst v8;
	s0 =	smov.u32 s26  }
0xad: {  	[tilespmem:s0+$0x6400] =	vst v6;
	v4 =	vmul.f32 $1.131370830e+01, v4;
	v61 =	vld [tilespmem:s0+$0x6470]  }
0xae: {  	[tilespmem:s0+$0x6410] =	vst v5;
	v3 =	vmul.f32 $1.131370830e+01, v3  }
0xaf: {  	[tilespmem:s0+$0x6420] =	vst v4;
	v0 =	vmul.f32 $1.131370830e+01, v0  }
0xb0: {  	s15 =	smul.u32 $0x300, s7;
	[tilespmem:s0+$0x6430] =	vst v3;
	v1 =	vmul.f32 $1.131370830e+01, v1  }
.Ltmp9:
0xb1: {  	[tilespmem:s0+$0x6440] =	vst v0;
	v62 =	vmul.f32 $1.131370830e+01, v2;
	(pc) =	sbr.rel @p0 .LBB2_17-.Ltmp9, $4  }
0xb2: {  	s15 =	sadd.s32 s4, s15;
	[tilespmem:s0+$0x6450] =	vst v1;
	v63 =	vmul.f32 $1.131370830e+01, v61  }
0xb3: {  	s15 =	sshll.u32 s15, $0x4;
	[tilespmem:s0+$0x6460] =	vst v62  }
0xb4: {  	s28 =	sadd.s32 s3, s15;
	[tilespmem:s0+$0x6470] =	vst v63  }
0xb5: {  	[hbm4b:s28+s5] =	stream.linear.scatter [tilespmem:s13], [sflag:$0x7], $0x4000, $0x38;
	[tilespmem:$0x1E400] =	vst v63  }
0xb6: {  	p1 =	seq.s32 s7, $0x21  }
.Ltmp10:
0xb7: {  	_ = 	snop;
	(pc) =	sbr.rel @p1 .LBB2_18-.Ltmp10, $1  }
0xb8: {  	_ =	sdelay $0x3  }
0xb9: {  	s0 =	simm.s32 $0xB  }
0xba: {  	_ =	swait.ge [sflag:s0], $0x4000  }
0xbb: {  	[sflag:s0] =	ssyncset.done $0x0  }
0xbc: {  	[sflag:s0] =	ssyncadd.s32 $0xFFFFC000  }
.LBB2_17:
0xbd: {  	s0 =	sadd.s32 $0x200, s8  }
0xbe: {  	[tilespmem:s19], [sflag:$0x5] =	stream.indirect.gather [hbm4b:s2+s12], $0x80, s0, s12, $0xb8;
	[tilespmem:$0x1E400] =	vst v63  }
.LBB2_18:
0xbf: {  	_ =	swait.ge [sflag:s20], $0x4000  }
0xc0: {  	[sflag:s20] =	ssyncset.done $0x0  }
0xc1: {  	s0 =	simm.s32 $0x0;
	[sflag:s20] =	ssyncadd.s32 $0xFFFFC000  }
0xc2: {  	v3 =	vld [tilespmem:s0+$0xA400]  }
0xc3: {  	v5 =	vld [tilespmem:s0+$0xA410]  }
0xc4: {  	v4 =	vld [tilespmem:s0+$0xA420]  }
0xc5: {  	v2 =	vld [tilespmem:s0+$0xA430]  }
0xc6: {  	v0 =	vld [tilespmem:s0+$0xA440]  }
0xc7: {  	v1 =	vld [tilespmem:s0+$0xA450];
	v6 =	vmul.f32 $1.131370830e+01, v3  }
0xc8: {  	s15 =	simm.s32 $0x200;
	v5 =	vmul.f32 $1.131370830e+01, v5;
	v3 =	vld [tilespmem:s0+$0xA460]  }
.LBB2_19:
0xc9: {  	s26 =	sshra.s32 s15, $0x2;
	p1 =	sne.s32 s15, $0xFE00;
	[tilespmem:s0+$0xA400] =	vst v6;
	v4 =	vmul.f32 $1.131370830e+01, v4;
	v6 =	vld [tilespmem:s0+$0xA470]  }
0xca: {  	v7 =	vld [tilespmem:s26+$0xA400];
	[tilespmem:s0+$0xA410] =	vst v5;
	v2 =	vmul.f32 $1.131370830e+01, v2  }
0xcb: {  	v5 =	vld [tilespmem:s26+$0xA410];
	[tilespmem:s0+$0xA420] =	vst v4;
	v0 =	vmul.f32 $1.131370830e+01, v0  }
.Ltmp11:
0xcc: {  	v4 =	vld [tilespmem:s26+$0xA420];
	[tilespmem:s0+$0xA430] =	vst v2;
	v1 =	vmul.f32 $1.131370830e+01, v1;
	(pc) =	sbr.rel @p1 .LBB2_19-.Ltmp11, $4  }
0xcd: {  	v2 =	vld [tilespmem:s26+$0xA430];
	[tilespmem:s0+$0xA440] =	vst v0;
	v3 =	vmul.f32 $1.131370830e+01, v3  }
0xce: {  	v0 =	vld [tilespmem:s26+$0xA440];
	[tilespmem:s0+$0xA450] =	vst v1;
	v8 =	vmul.f32 $1.131370830e+01, v6  }
0xcf: {  	v6 =	vmul.f32 $1.131370830e+01, v7;
	v1 =	vld [tilespmem:s26+$0xA450];
	[tilespmem:s0+$0xA460] =	vst v3  }
0xd0: {  	s15 =	sadd.s32 $0x200, s15;
	v5 =	vmul.f32 $1.131370830e+01, v5;
	v3 =	vld [tilespmem:s26+$0xA460];
	[tilespmem:s0+$0xA470] =	vst v8;
	s0 =	smov.u32 s26  }
0xd1: {  	[tilespmem:s0+$0xA400] =	vst v6;
	v4 =	vmul.f32 $1.131370830e+01, v4;
	v61 =	vld [tilespmem:s0+$0xA470]  }
0xd2: {  	[tilespmem:s0+$0xA410] =	vst v5;
	v2 =	vmul.f32 $1.131370830e+01, v2  }
0xd3: {  	[tilespmem:s0+$0xA420] =	vst v4;
	v0 =	vmul.f32 $1.131370830e+01, v0  }
0xd4: {  	[tilespmem:s0+$0xA430] =	vst v2;
	v1 =	vmul.f32 $1.131370830e+01, v1  }
.Ltmp12:
0xd5: {  	s15 =	sshll.u32 s25, $0xE;
	[tilespmem:s0+$0xA440] =	vst v0;
	v62 =	vmul.f32 $1.131370830e+01, v3;
	(pc) =	sbr.rel @p0 .LBB2_23-.Ltmp12, $4  }
0xd6: {  	s15 =	sadd.s32 s6, s15;
	[tilespmem:s0+$0xA450] =	vst v1;
	v63 =	vmul.f32 $1.131370830e+01, v61  }
0xd7: {  	s15 =	sshrl.u32 s15, $0x3;
	[tilespmem:s0+$0xA460] =	vst v62  }
0xd8: {  	s28 =	sadd.s32 s3, s15;
	[tilespmem:s0+$0xA470] =	vst v63  }
0xd9: {  	[hbm4b:s28+s5] =	stream.linear.scatter [tilespmem:s14], [sflag:$0x8], $0x4000, $0x38;
	[tilespmem:$0x1E400] =	vst v63  }
0xda: {  	p0 =	seq.s32 s7, $0x21  }
.Ltmp13:
0xdb: {  	_ = 	snop;
	(pc) =	sbr.rel @p0 .LBB2_26-.Ltmp13, $1  }
0xdc: {  	_ =	sdelay $0x3  }
0xdd: {  	_ =	swait.ge [sflag:s29], $0x4000  }
0xde: {  	[sflag:s29] =	ssyncset.done $0x0  }
0xdf: {  	[sflag:s29] =	ssyncadd.s32 $0xFFFFC000  }
.LBB2_23:
0xe0: {  	s0 =	sadd.s32 $0x280, s8  }
0xe1: {  	[tilespmem:s21], [sflag:$0x6] =	stream.indirect.gather [hbm4b:s2+s12], $0x80, s0, s12, $0xb8;
	[tilespmem:$0x1E400] =	vst v63  }
0xe2: {  	_ =	swait.ge [sflag:s22], $0x4000  }
0xe3: {  	[sflag:s22] =	ssyncset.done $0x0  }
0xe4: {  	s0 =	simm.s32 $0x0;
	[sflag:s22] =	ssyncadd.s32 $0xFFFFC000  }
0xe5: {  	v3 =	vld [tilespmem:s0+$0xE400]  }
0xe6: {  	v5 =	vld [tilespmem:s0+$0xE410]  }
0xe7: {  	v4 =	vld [tilespmem:s0+$0xE420]  }
0xe8: {  	v2 =	vld [tilespmem:s0+$0xE430]  }
0xe9: {  	v0 =	vld [tilespmem:s0+$0xE440]  }
0xea: {  	v1 =	vld [tilespmem:s0+$0xE450];
	v6 =	vmul.f32 $1.131370830e+01, v3  }
0xeb: {  	s8 =	simm.s32 $0x200;
	v5 =	vmul.f32 $1.131370830e+01, v5;
	v3 =	vld [tilespmem:s0+$0xE460]  }
.LBB2_24:
0xec: {  	s15 =	sshra.s32 s8, $0x2;
	p0 =	sne.s32 s8, $0xFE00;
	[tilespmem:s0+$0xE400] =	vst v6;
	v4 =	vmul.f32 $1.131370830e+01, v4;
	v6 =	vld [tilespmem:s0+$0xE470]  }
0xed: {  	v7 =	vld [tilespmem:s15+$0xE400];
	[tilespmem:s0+$0xE410] =	vst v5;
	v2 =	vmul.f32 $1.131370830e+01, v2  }
0xee: {  	v5 =	vld [tilespmem:s15+$0xE410];
	[tilespmem:s0+$0xE420] =	vst v4;
	v0 =	vmul.f32 $1.131370830e+01, v0  }
.Ltmp14:
0xef: {  	v4 =	vld [tilespmem:s15+$0xE420];
	[tilespmem:s0+$0xE430] =	vst v2;
	v1 =	vmul.f32 $1.131370830e+01, v1;
	(pc) =	sbr.rel @p0 .LBB2_24-.Ltmp14, $4  }
0xf0: {  	v2 =	vld [tilespmem:s15+$0xE430];
	[tilespmem:s0+$0xE440] =	vst v0;
	v3 =	vmul.f32 $1.131370830e+01, v3  }
0xf1: {  	v0 =	vld [tilespmem:s15+$0xE440];
	[tilespmem:s0+$0xE450] =	vst v1;
	v8 =	vmul.f32 $1.131370830e+01, v6  }
0xf2: {  	v6 =	vmul.f32 $1.131370830e+01, v7;
	v1 =	vld [tilespmem:s15+$0xE450];
	[tilespmem:s0+$0xE460] =	vst v3  }
0xf3: {  	s8 =	sadd.s32 $0x200, s8;
	v5 =	vmul.f32 $1.131370830e+01, v5;
	v3 =	vld [tilespmem:s15+$0xE460];
	[tilespmem:s0+$0xE470] =	vst v8;
	s0 =	smov.u32 s15  }
0xf4: {  	[tilespmem:s0+$0xE400] =	vst v6;
	v4 =	vmul.f32 $1.131370830e+01, v4;
	v61 =	vld [tilespmem:s0+$0xE470]  }
0xf5: {  	[tilespmem:s0+$0xE410] =	vst v5;
	v2 =	vmul.f32 $1.131370830e+01, v2  }
0xf6: {  	[tilespmem:s0+$0xE420] =	vst v4;
	v0 =	vmul.f32 $1.131370830e+01, v0  }
0xf7: {  	[tilespmem:s0+$0xE430] =	vst v2;
	v1 =	vmul.f32 $1.131370830e+01, v1  }
.Ltmp15:
0xf8: {  	s8 =	sshll.u32 s11, $0xE;
	[tilespmem:s0+$0xE440] =	vst v0;
	v62 =	vmul.f32 $1.131370830e+01, v3;
	(pc) =	sbr.rel .LBB2_2-.Ltmp15, $4  }
0xf9: {  	s8 =	sadd.s32 s6, s8;
	[tilespmem:s0+$0xE450] =	vst v1;
	v63 =	vmul.f32 $1.131370830e+01, v61  }
0xfa: {  	s8 =	sshrl.u32 s8, $0x3;
	[tilespmem:s0+$0xE460] =	vst v62  }
0xfb: {  	s7 =	sadd.s32 $0x1, s7;
	s28 =	sadd.s32 s3, s8;
	[tilespmem:s0+$0xE470] =	vst v63  }
0xfc: {  	[hbm4b:s28+s5] =	stream.linear.scatter [tilespmem:s16], [sflag:$0x9], $0x4000, $0x38;
	[tilespmem:$0x1E400] =	vst v63  }
.LBB2_27:
0xfd: {  	_ =	sfence.sel $0x180000  }
0xfe: {  	[bflag:$0x0] =	sbarrier.arrive $0xFFFF  }
0xff: {  	_ =	strace $0x90000047  }
0x100: {  	s0 =	stileid.u32;
	[bflag:$0x2] =	sbarrier.arrive $0xFFFF  }
0x101: {  	p0 =	sne.s32 s0, $0x0;
	s0 =	rddreg [dreg:$0x3]  }
0x102: {  	s0 =	sadd.s32 @!p0 $0x100000, s0  }
0x103: {  	[sflag:s0] =	ssyncadd.tile.s32 @!p0 $0x1;
	_ =	shalt  }
.Lfunc_end2:
_tile_overlayer_lowered:
.L_overlay_start_2:
0x104: {  	(tag) =	ssettag $0x2  }
0x105: {  	s0 =	rddreg [dreg:$0x0];
	s2 =	stileid.u32  }
0x106: {  	s1 =	rddreg [dreg:$0x1];
	p0 =	sne.s32 s2, $0x0  }
0x107: {  	s3 =	rddreg [dreg:$0x2];
	[bflag:$0x3] =	sbarrier.arrive $0xFFFF;
	s2 =	simm.s32 @!p0 $0x1C0D  }
0x108: {  	[timem:s3], [sflag:s2] =	dma.local @!p0 [hbm:s0], s1  }
0x109: {  	s0 =	simm.s32 @!p0 $0xD  }
0x10a: {  	_ =	swait.ge @!p0 [sflag:s0], s1  }
0x10b: {  	s1 =	ssub.s32 @!p0 $0x0, s1;
	[sflag:s0] =	ssyncset.done @!p0 $0x0  }
0x10c: {  	[sflag:s0] =	ssyncadd.s32 @!p0 s1  }
0x10d: {  	[bflag:$0x3] =	sbarrier.arrive $0xFFFF  }
0x10e: {  	_ =	shalt  }

</sc_bundles>
